<compile_context>
chip_gen: v7x
topology: tpu7x:2x2x1
jax: 0.10.2.dev20260603
libtpu: 0.0.44.dev20260713+nightly
codegen_flags: <defaults>
</compile_context>

<pallas_src>
import functools

import jax
import jax.numpy as jnp
from jax import lax
from jax.experimental import pallas as pl
from jax.experimental.pallas import tpu as pltpu
from jax.experimental.pallas import tpu_sc as plsc

DEPTH = 32
ROWS = 4096
COLS = 200
NC = 2
NS = 16
NW = NC * NS
ROWS_W = ROWS // NW
NBUF = 8
NROUND = ROWS_W // NBUF

_mesh = plsc.VectorSubcoreMesh(core_axis_name="c", subcore_axis_name="s")


@functools.partial(
    pl.kernel,
    mesh=_mesh,
    compiler_params=pltpu.CompilerParams(use_tc_tiling_on_sc=False),
    out_type=jax.ShapeDtypeStruct((ROWS, COLS, DEPTH), jnp.float32),
    scratch_types=[
        pltpu.VMEM((ROWS_W, COLS), jnp.int32),
        pltpu.VMEM((NBUF, COLS, DEPTH), jnp.float32),
        pltpu.SemaphoreType.DMA((NBUF,)),
        pltpu.SemaphoreType.DMA((NBUF,)),
    ],
)
def _embed_lookup(idx_hbm, table_hbm, out_hbm, idx_v, rows_v, sg, so):
    wid = lax.axis_index("s") * NC + lax.axis_index("c")
    base = wid * ROWS_W
    pltpu.sync_copy(idx_hbm.at[pl.ds(base, ROWS_W)], idx_v)

    def g_copy(i, b):
        return pltpu.make_async_copy(
            table_hbm.at[idx_v.at[i]], rows_v.at[b], sg.at[b])

    def o_copy(i, b):
        return pltpu.make_async_copy(rows_v.at[b], out_hbm.at[base + i], so.at[b])

    for b in range(NBUF):
        g_copy(b, b).start()

    def body(k, carry):
        i0 = k * NBUF
        for b in range(NBUF):
            i = i0 + b
            g_copy(i, b).wait()
            o_copy(i, b).start()
            o_copy(i, b).wait()
            g_copy(i + NBUF, b).start()
        return carry

    lax.fori_loop(0, NROUND - 1, body, 0)

    i0 = (NROUND - 1) * NBUF
    for b in range(NBUF):
        i = i0 + b
        g_copy(i, b).wait()
        o_copy(i, b).start()
    for b in range(NBUF):
        o_copy(i0 + b, b).wait()


def kernel(texts_tokenized, table):
    return _embed_lookup(texts_tokenized.astype(jnp.int32), table)

# --- scband reference (transcript-rebuilt; emitter-appended) ---
"""Pipeline reference for scband-text-embedder-56530359550378 (READ-ONLY COPY).

The authoritative reference and input builder live on the scoring server;
editing this copy changes nothing except your own understanding.
"""

import jax, jax.numpy as jnp
import numpy as np

VOCAB = 1000000
DEPTH = 32

def setup_inputs(seed: int = 0) -> dict:
    key = jax.random.key(seed)
    k1, k2 = jax.random.split(key)
    texts_tokenized = jax.random.randint(k1, (4096, 200), 0, VOCAB, dtype=jnp.int64 if jax.config.jax_enable_x64 else jnp.int32)
    table = jax.random.normal(k2, (VOCAB, DEPTH), dtype=jnp.float32) * 0.05
    return {"texts_tokenized": texts_tokenized, "table": table}

def reference(texts_tokenized, table):
    # Embedding lookup: gather rows of the table by token id.
    return jnp.take(table, texts_tokenized, axis=0)

if __name__ == "__main__":
    import jax
    _d = setup_inputs()
    print(jax.jit(kernel)(*tuple(_d.values())))

</pallas_src>

<mosaic_0001>
#map = affine_map<(d0, d1) -> (0, 0)>
#map1 = affine_map<(d0, d1) -> (0, 0, 0)>
module attributes {stable_mosaic.version = 14 : i64} {
  func.func @_embed_lookup(%arg0: i32, %arg1: i32, %arg2: memref<4096x200xi32, #tpu.memory_space<hbm>>, %arg3: memref<1000000x32xf32, #tpu.memory_space<hbm>>, %arg4: memref<4096x200x32xf32, #tpu.memory_space<hbm>>, %arg5: memref<128x200xi32, #tpu.memory_space<vmem>>, %arg6: memref<8x200x32xf32, #tpu.memory_space<vmem>>, %arg7: memref<8x!tpu.dma_semaphore, #tpu.memory_space<semaphore_mem>>, %arg8: memref<8x!tpu.dma_semaphore, #tpu.memory_space<semaphore_mem>>) attributes {dimension_semantics = [#tpu.dimension_semantics<core_parallel>, #tpu.dimension_semantics<subcore_parallel>], iteration_bounds = array<i64: 2, 16>, scalar_prefetch = 0 : i64, scratch_operands = 4 : i64, tpu.core_type = #tpu.core_type<sc_vector_subcore>, window_params = [{transform_indices = #map}, {transform_indices = #map}, {transform_indices = #map1}]} {
    %mul3A = arith.constant 2 : i32
    %mul3A_0 = arith.muli %arg1, %mul3A : i32
    %add3A = arith.addi %mul3A_0, %arg0 : i32
    %mul3A_1 = arith.constant 128 : i32
    %mul3A_2 = arith.muli %add3A, %mul3A_1 : i32
    "tpu.region"() ({
      %run_scoped3A = tpu.sem_alloc : memref<!tpu.dma_semaphore, #tpu.memory_space<semaphore_mem>>
      %dma_start3A_598 = arith.constant 0 : i32
      %dma_start3A_599 = tpu.memref_slice %arg2[%mul3A_2, %dma_start3A_598] : memref<4096x200xi32, #tpu.memory_space<hbm>> -> memref<128x200xi32, #tpu.memory_space<hbm>>
      %dma_start3A_600 = arith.constant 0 : i32
      %dma_start3A_601 = tpu.memref_slice %arg2[%mul3A_2, %dma_start3A_600] : memref<4096x200xi32, #tpu.memory_space<hbm>> -> memref<128x200xi32, #tpu.memory_space<hbm>>
      tpu.enqueue_dma source(%dma_start3A_601 : memref<128x200xi32, #tpu.memory_space<hbm>>) target(%arg5 : memref<128x200xi32, #tpu.memory_space<vmem>>) target_semaphore(%run_scoped3A : memref<!tpu.dma_semaphore, #tpu.memory_space<semaphore_mem>>)
      %dma_wait3A_602 = arith.constant 0 : i32
      %dma_wait3A_603 = tpu.memref_slice %arg2[%mul3A_2, %dma_wait3A_602] : memref<4096x200xi32, #tpu.memory_space<hbm>> -> memref<128x200xi32, #tpu.memory_space<hbm>>
      %dma_wait3A_604 = arith.constant 0 : i32
      %dma_wait3A_605 = tpu.memref_slice %arg2[%mul3A_2, %dma_wait3A_604] : memref<4096x200xi32, #tpu.memory_space<hbm>> -> memref<128x200xi32, #tpu.memory_space<hbm>>
      tpu.wait_dma2 semaphore(%run_scoped3A : memref<!tpu.dma_semaphore, #tpu.memory_space<semaphore_mem>>) src(%dma_wait3A_605 : memref<128x200xi32, #tpu.memory_space<hbm>>) dst(%arg5 : memref<128x200xi32, #tpu.memory_space<vmem>>)
      tpu.yield
    }) : () -> ()
    %dma_start3A = arith.constant 0 : i32
    %dma_start3A_3 = arith.constant 0 : i32
    %dma_start3A_4 = arith.constant 0 : i32
    %dma_start3A_5 = arith.constant 0 : i32
    %dma_start3A_6 = arith.constant 0 : i32
    %dma_start3A_7 = tpu.memref_slice %arg6[%dma_start3A_3, %dma_start3A_5, %dma_start3A_6] : memref<8x200x32xf32, #tpu.memory_space<vmem>> -> memref<1x200x32xf32, #tpu.memory_space<vmem>>
    %dma_start3A_8 = tpu.memref_squeeze %dma_start3A_7 : memref<1x200x32xf32, #tpu.memory_space<vmem>> -> memref<200x32xf32, #tpu.memory_space<vmem>>
    %dma_start3A_9 = arith.constant 0 : i32
    %dma_start3A_10 = tpu.memref_slice %arg5[%dma_start3A, %dma_start3A_9] : memref<128x200xi32, #tpu.memory_space<vmem>> -> memref<1x200xi32, #tpu.memory_space<vmem>>
    %dma_start3A_11 = tpu.memref_squeeze %dma_start3A_10 : memref<1x200xi32, #tpu.memory_space<vmem>> -> memref<200xi32, #tpu.memory_space<vmem>>
    %dma_start3A_12 = arith.constant 0 : i32
    %dma_start3A_13 = arith.constant 0 : i32
    %dma_start3A_14 = tpu.memref_slice %arg3[%dma_start3A_12, %dma_start3A_13] : memref<1000000x32xf32, #tpu.memory_space<hbm>> -> memref<1000000x32xf32, #tpu.memory_space<hbm>>
    %dma_start3A_15 = tpu.memref_slice %arg7[%dma_start3A_4] : memref<8x!tpu.dma_semaphore, #tpu.memory_space<semaphore_mem>> -> memref<1x!tpu.dma_semaphore, #tpu.memory_space<semaphore_mem>>
    %dma_start3A_16 = tpu.memref_squeeze %dma_start3A_15 : memref<1x!tpu.dma_semaphore, #tpu.memory_space<semaphore_mem>> -> memref<!tpu.dma_semaphore, #tpu.memory_space<semaphore_mem>>
    tpu.enqueue_indirect_dma source(%dma_start3A_14 : memref<1000000x32xf32, #tpu.memory_space<hbm>>) target(%dma_start3A_8 : memref<200x32xf32, #tpu.memory_space<vmem>>) offsets(%dma_start3A_11 : memref<200xi32, #tpu.memory_space<vmem>>) semaphore(%dma_start3A_16 : memref<!tpu.dma_semaphore, #tpu.memory_space<semaphore_mem>>)
    %dma_start3A_17 = arith.constant 1 : i32
    %dma_start3A_18 = arith.constant 1 : i32
    %dma_start3A_19 = arith.constant 1 : i32
    %dma_start3A_20 = arith.constant 0 : i32
    %dma_start3A_21 = arith.constant 0 : i32
    %dma_start3A_22 = tpu.memref_slice %arg6[%dma_start3A_18, %dma_start3A_20, %dma_start3A_21] : memref<8x200x32xf32, #tpu.memory_space<vmem>> -> memref<1x200x32xf32, #tpu.memory_space<vmem>>
    %dma_start3A_23 = tpu.memref_squeeze %dma_start3A_22 : memref<1x200x32xf32, #tpu.memory_space<vmem>> -> memref<200x32xf32, #tpu.memory_space<vmem>>
    %dma_start3A_24 = arith.constant 0 : i32
    %dma_start3A_25 = tpu.memref_slice %arg5[%dma_start3A_17, %dma_start3A_24] : memref<128x200xi32, #tpu.memory_space<vmem>> -> memref<1x200xi32, #tpu.memory_space<vmem>>
    %dma_start3A_26 = tpu.memref_squeeze %dma_start3A_25 : memref<1x200xi32, #tpu.memory_space<vmem>> -> memref<200xi32, #tpu.memory_space<vmem>>
    %dma_start3A_27 = arith.constant 0 : i32
    %dma_start3A_28 = arith.constant 0 : i32
    %dma_start3A_29 = tpu.memref_slice %arg3[%dma_start3A_27, %dma_start3A_28] : memref<1000000x32xf32, #tpu.memory_space<hbm>> -> memref<1000000x32xf32, #tpu.memory_space<hbm>>
    %dma_start3A_30 = tpu.memref_slice %arg7[%dma_start3A_19] : memref<8x!tpu.dma_semaphore, #tpu.memory_space<semaphore_mem>> -> memref<1x!tpu.dma_semaphore, #tpu.memory_space<semaphore_mem>>
    %dma_start3A_31 = tpu.memref_squeeze %dma_start3A_30 : memref<1x!tpu.dma_semaphore, #tpu.memory_space<semaphore_mem>> -> memref<!tpu.dma_semaphore, #tpu.memory_space<semaphore_mem>>
    tpu.enqueue_indirect_dma source(%dma_start3A_29 : memref<1000000x32xf32, #tpu.memory_space<hbm>>) target(%dma_start3A_23 : memref<200x32xf32, #tpu.memory_space<vmem>>) offsets(%dma_start3A_26 : memref<200xi32, #tpu.memory_space<vmem>>) semaphore(%dma_start3A_31 : memref<!tpu.dma_semaphore, #tpu.memory_space<semaphore_mem>>)
    %dma_start3A_32 = arith.constant 2 : i32
    %dma_start3A_33 = arith.constant 2 : i32
    %dma_start3A_34 = arith.constant 2 : i32
    %dma_start3A_35 = arith.constant 0 : i32
    %dma_start3A_36 = arith.constant 0 : i32
    %dma_start3A_37 = tpu.memref_slice %arg6[%dma_start3A_33, %dma_start3A_35, %dma_start3A_36] : memref<8x200x32xf32, #tpu.memory_space<vmem>> -> memref<1x200x32xf32, #tpu.memory_space<vmem>>
    %dma_start3A_38 = tpu.memref_squeeze %dma_start3A_37 : memref<1x200x32xf32, #tpu.memory_space<vmem>> -> memref<200x32xf32, #tpu.memory_space<vmem>>
    %dma_start3A_39 = arith.constant 0 : i32
    %dma_start3A_40 = tpu.memref_slice %arg5[%dma_start3A_32, %dma_start3A_39] : memref<128x200xi32, #tpu.memory_space<vmem>> -> memref<1x200xi32, #tpu.memory_space<vmem>>
    %dma_start3A_41 = tpu.memref_squeeze %dma_start3A_40 : memref<1x200xi32, #tpu.memory_space<vmem>> -> memref<200xi32, #tpu.memory_space<vmem>>
    %dma_start3A_42 = arith.constant 0 : i32
    %dma_start3A_43 = arith.constant 0 : i32
    %dma_start3A_44 = tpu.memref_slice %arg3[%dma_start3A_42, %dma_start3A_43] : memref<1000000x32xf32, #tpu.memory_space<hbm>> -> memref<1000000x32xf32, #tpu.memory_space<hbm>>
    %dma_start3A_45 = tpu.memref_slice %arg7[%dma_start3A_34] : memref<8x!tpu.dma_semaphore, #tpu.memory_space<semaphore_mem>> -> memref<1x!tpu.dma_semaphore, #tpu.memory_space<semaphore_mem>>
    %dma_start3A_46 = tpu.memref_squeeze %dma_start3A_45 : memref<1x!tpu.dma_semaphore, #tpu.memory_space<semaphore_mem>> -> memref<!tpu.dma_semaphore, #tpu.memory_space<semaphore_mem>>
    tpu.enqueue_indirect_dma source(%dma_start3A_44 : memref<1000000x32xf32, #tpu.memory_space<hbm>>) target(%dma_start3A_38 : memref<200x32xf32, #tpu.memory_space<vmem>>) offsets(%dma_start3A_41 : memref<200xi32, #tpu.memory_space<vmem>>) semaphore(%dma_start3A_46 : memref<!tpu.dma_semaphore, #tpu.memory_space<semaphore_mem>>)
    %dma_start3A_47 = arith.constant 3 : i32
    %dma_start3A_48 = arith.constant 3 : i32
    %dma_start3A_49 = arith.constant 3 : i32
    %dma_start3A_50 = arith.constant 0 : i32
    %dma_start3A_51 = arith.constant 0 : i32
    %dma_start3A_52 = tpu.memref_slice %arg6[%dma_start3A_48, %dma_start3A_50, %dma_start3A_51] : memref<8x200x32xf32, #tpu.memory_space<vmem>> -> memref<1x200x32xf32, #tpu.memory_space<vmem>>
    %dma_start3A_53 = tpu.memref_squeeze %dma_start3A_52 : memref<1x200x32xf32, #tpu.memory_space<vmem>> -> memref<200x32xf32, #tpu.memory_space<vmem>>
    %dma_start3A_54 = arith.constant 0 : i32
    %dma_start3A_55 = tpu.memref_slice %arg5[%dma_start3A_47, %dma_start3A_54] : memref<128x200xi32, #tpu.memory_space<vmem>> -> memref<1x200xi32, #tpu.memory_space<vmem>>
    %dma_start3A_56 = tpu.memref_squeeze %dma_start3A_55 : memref<1x200xi32, #tpu.memory_space<vmem>> -> memref<200xi32, #tpu.memory_space<vmem>>
    %dma_start3A_57 = arith.constant 0 : i32
    %dma_start3A_58 = arith.constant 0 : i32
    %dma_start3A_59 = tpu.memref_slice %arg3[%dma_start3A_57, %dma_start3A_58] : memref<1000000x32xf32, #tpu.memory_space<hbm>> -> memref<1000000x32xf32, #tpu.memory_space<hbm>>
    %dma_start3A_60 = tpu.memref_slice %arg7[%dma_start3A_49] : memref<8x!tpu.dma_semaphore, #tpu.memory_space<semaphore_mem>> -> memref<1x!tpu.dma_semaphore, #tpu.memory_space<semaphore_mem>>
    %dma_start3A_61 = tpu.memref_squeeze %dma_start3A_60 : memref<1x!tpu.dma_semaphore, #tpu.memory_space<semaphore_mem>> -> memref<!tpu.dma_semaphore, #tpu.memory_space<semaphore_mem>>
    tpu.enqueue_indirect_dma source(%dma_start3A_59 : memref<1000000x32xf32, #tpu.memory_space<hbm>>) target(%dma_start3A_53 : memref<200x32xf32, #tpu.memory_space<vmem>>) offsets(%dma_start3A_56 : memref<200xi32, #tpu.memory_space<vmem>>) semaphore(%dma_start3A_61 : memref<!tpu.dma_semaphore, #tpu.memory_space<semaphore_mem>>)
    %dma_start3A_62 = arith.constant 4 : i32
    %dma_start3A_63 = arith.constant 4 : i32
    %dma_start3A_64 = arith.constant 4 : i32
    %dma_start3A_65 = arith.constant 0 : i32
    %dma_start3A_66 = arith.constant 0 : i32
    %dma_start3A_67 = tpu.memref_slice %arg6[%dma_start3A_63, %dma_start3A_65, %dma_start3A_66] : memref<8x200x32xf32, #tpu.memory_space<vmem>> -> memref<1x200x32xf32, #tpu.memory_space<vmem>>
    %dma_start3A_68 = tpu.memref_squeeze %dma_start3A_67 : memref<1x200x32xf32, #tpu.memory_space<vmem>> -> memref<200x32xf32, #tpu.memory_space<vmem>>
    %dma_start3A_69 = arith.constant 0 : i32
    %dma_start3A_70 = tpu.memref_slice %arg5[%dma_start3A_62, %dma_start3A_69] : memref<128x200xi32, #tpu.memory_space<vmem>> -> memref<1x200xi32, #tpu.memory_space<vmem>>
    %dma_start3A_71 = tpu.memref_squeeze %dma_start3A_70 : memref<1x200xi32, #tpu.memory_space<vmem>> -> memref<200xi32, #tpu.memory_space<vmem>>
    %dma_start3A_72 = arith.constant 0 : i32
    %dma_start3A_73 = arith.constant 0 : i32
    %dma_start3A_74 = tpu.memref_slice %arg3[%dma_start3A_72, %dma_start3A_73] : memref<1000000x32xf32, #tpu.memory_space<hbm>> -> memref<1000000x32xf32, #tpu.memory_space<hbm>>
    %dma_start3A_75 = tpu.memref_slice %arg7[%dma_start3A_64] : memref<8x!tpu.dma_semaphore, #tpu.memory_space<semaphore_mem>> -> memref<1x!tpu.dma_semaphore, #tpu.memory_space<semaphore_mem>>
    %dma_start3A_76 = tpu.memref_squeeze %dma_start3A_75 : memref<1x!tpu.dma_semaphore, #tpu.memory_space<semaphore_mem>> -> memref<!tpu.dma_semaphore, #tpu.memory_space<semaphore_mem>>
    tpu.enqueue_indirect_dma source(%dma_start3A_74 : memref<1000000x32xf32, #tpu.memory_space<hbm>>) target(%dma_start3A_68 : memref<200x32xf32, #tpu.memory_space<vmem>>) offsets(%dma_start3A_71 : memref<200xi32, #tpu.memory_space<vmem>>) semaphore(%dma_start3A_76 : memref<!tpu.dma_semaphore, #tpu.memory_space<semaphore_mem>>)
    %dma_start3A_77 = arith.constant 5 : i32
    %dma_start3A_78 = arith.constant 5 : i32
    %dma_start3A_79 = arith.constant 5 : i32
    %dma_start3A_80 = arith.constant 0 : i32
    %dma_start3A_81 = arith.constant 0 : i32
    %dma_start3A_82 = tpu.memref_slice %arg6[%dma_start3A_78, %dma_start3A_80, %dma_start3A_81] : memref<8x200x32xf32, #tpu.memory_space<vmem>> -> memref<1x200x32xf32, #tpu.memory_space<vmem>>
    %dma_start3A_83 = tpu.memref_squeeze %dma_start3A_82 : memref<1x200x32xf32, #tpu.memory_space<vmem>> -> memref<200x32xf32, #tpu.memory_space<vmem>>
    %dma_start3A_84 = arith.constant 0 : i32
    %dma_start3A_85 = tpu.memref_slice %arg5[%dma_start3A_77, %dma_start3A_84] : memref<128x200xi32, #tpu.memory_space<vmem>> -> memref<1x200xi32, #tpu.memory_space<vmem>>
    %dma_start3A_86 = tpu.memref_squeeze %dma_start3A_85 : memref<1x200xi32, #tpu.memory_space<vmem>> -> memref<200xi32, #tpu.memory_space<vmem>>
    %dma_start3A_87 = arith.constant 0 : i32
    %dma_start3A_88 = arith.constant 0 : i32
    %dma_start3A_89 = tpu.memref_slice %arg3[%dma_start3A_87, %dma_start3A_88] : memref<1000000x32xf32, #tpu.memory_space<hbm>> -> memref<1000000x32xf32, #tpu.memory_space<hbm>>
    %dma_start3A_90 = tpu.memref_slice %arg7[%dma_start3A_79] : memref<8x!tpu.dma_semaphore, #tpu.memory_space<semaphore_mem>> -> memref<1x!tpu.dma_semaphore, #tpu.memory_space<semaphore_mem>>
    %dma_start3A_91 = tpu.memref_squeeze %dma_start3A_90 : memref<1x!tpu.dma_semaphore, #tpu.memory_space<semaphore_mem>> -> memref<!tpu.dma_semaphore, #tpu.memory_space<semaphore_mem>>
    tpu.enqueue_indirect_dma source(%dma_start3A_89 : memref<1000000x32xf32, #tpu.memory_space<hbm>>) target(%dma_start3A_83 : memref<200x32xf32, #tpu.memory_space<vmem>>) offsets(%dma_start3A_86 : memref<200xi32, #tpu.memory_space<vmem>>) semaphore(%dma_start3A_91 : memref<!tpu.dma_semaphore, #tpu.memory_space<semaphore_mem>>)
    %dma_start3A_92 = arith.constant 6 : i32
    %dma_start3A_93 = arith.constant 6 : i32
    %dma_start3A_94 = arith.constant 6 : i32
    %dma_start3A_95 = arith.constant 0 : i32
    %dma_start3A_96 = arith.constant 0 : i32
    %dma_start3A_97 = tpu.memref_slice %arg6[%dma_start3A_93, %dma_start3A_95, %dma_start3A_96] : memref<8x200x32xf32, #tpu.memory_space<vmem>> -> memref<1x200x32xf32, #tpu.memory_space<vmem>>
    %dma_start3A_98 = tpu.memref_squeeze %dma_start3A_97 : memref<1x200x32xf32, #tpu.memory_space<vmem>> -> memref<200x32xf32, #tpu.memory_space<vmem>>
    %dma_start3A_99 = arith.constant 0 : i32
    %dma_start3A_100 = tpu.memref_slice %arg5[%dma_start3A_92, %dma_start3A_99] : memref<128x200xi32, #tpu.memory_space<vmem>> -> memref<1x200xi32, #tpu.memory_space<vmem>>
    %dma_start3A_101 = tpu.memref_squeeze %dma_start3A_100 : memref<1x200xi32, #tpu.memory_space<vmem>> -> memref<200xi32, #tpu.memory_space<vmem>>
    %dma_start3A_102 = arith.constant 0 : i32
    %dma_start3A_103 = arith.constant 0 : i32
    %dma_start3A_104 = tpu.memref_slice %arg3[%dma_start3A_102, %dma_start3A_103] : memref<1000000x32xf32, #tpu.memory_space<hbm>> -> memref<1000000x32xf32, #tpu.memory_space<hbm>>
    %dma_start3A_105 = tpu.memref_slice %arg7[%dma_start3A_94] : memref<8x!tpu.dma_semaphore, #tpu.memory_space<semaphore_mem>> -> memref<1x!tpu.dma_semaphore, #tpu.memory_space<semaphore_mem>>
    %dma_start3A_106 = tpu.memref_squeeze %dma_start3A_105 : memref<1x!tpu.dma_semaphore, #tpu.memory_space<semaphore_mem>> -> memref<!tpu.dma_semaphore, #tpu.memory_space<semaphore_mem>>
    tpu.enqueue_indirect_dma source(%dma_start3A_104 : memref<1000000x32xf32, #tpu.memory_space<hbm>>) target(%dma_start3A_98 : memref<200x32xf32, #tpu.memory_space<vmem>>) offsets(%dma_start3A_101 : memref<200xi32, #tpu.memory_space<vmem>>) semaphore(%dma_start3A_106 : memref<!tpu.dma_semaphore, #tpu.memory_space<semaphore_mem>>)
    %dma_start3A_107 = arith.constant 7 : i32
    %dma_start3A_108 = arith.constant 7 : i32
    %dma_start3A_109 = arith.constant 7 : i32
    %dma_start3A_110 = arith.constant 0 : i32
    %dma_start3A_111 = arith.constant 0 : i32
    %dma_start3A_112 = tpu.memref_slice %arg6[%dma_start3A_108, %dma_start3A_110, %dma_start3A_111] : memref<8x200x32xf32, #tpu.memory_space<vmem>> -> memref<1x200x32xf32, #tpu.memory_space<vmem>>
    %dma_start3A_113 = tpu.memref_squeeze %dma_start3A_112 : memref<1x200x32xf32, #tpu.memory_space<vmem>> -> memref<200x32xf32, #tpu.memory_space<vmem>>
    %dma_start3A_114 = arith.constant 0 : i32
    %dma_start3A_115 = tpu.memref_slice %arg5[%dma_start3A_107, %dma_start3A_114] : memref<128x200xi32, #tpu.memory_space<vmem>> -> memref<1x200xi32, #tpu.memory_space<vmem>>
    %dma_start3A_116 = tpu.memref_squeeze %dma_start3A_115 : memref<1x200xi32, #tpu.memory_space<vmem>> -> memref<200xi32, #tpu.memory_space<vmem>>
    %dma_start3A_117 = arith.constant 0 : i32
    %dma_start3A_118 = arith.constant 0 : i32
    %dma_start3A_119 = tpu.memref_slice %arg3[%dma_start3A_117, %dma_start3A_118] : memref<1000000x32xf32, #tpu.memory_space<hbm>> -> memref<1000000x32xf32, #tpu.memory_space<hbm>>
    %dma_start3A_120 = tpu.memref_slice %arg7[%dma_start3A_109] : memref<8x!tpu.dma_semaphore, #tpu.memory_space<semaphore_mem>> -> memref<1x!tpu.dma_semaphore, #tpu.memory_space<semaphore_mem>>
    %dma_start3A_121 = tpu.memref_squeeze %dma_start3A_120 : memref<1x!tpu.dma_semaphore, #tpu.memory_space<semaphore_mem>> -> memref<!tpu.dma_semaphore, #tpu.memory_space<semaphore_mem>>
    tpu.enqueue_indirect_dma source(%dma_start3A_119 : memref<1000000x32xf32, #tpu.memory_space<hbm>>) target(%dma_start3A_113 : memref<200x32xf32, #tpu.memory_space<vmem>>) offsets(%dma_start3A_116 : memref<200xi32, #tpu.memory_space<vmem>>) semaphore(%dma_start3A_121 : memref<!tpu.dma_semaphore, #tpu.memory_space<semaphore_mem>>)
    %scan3A = arith.constant 0 : i32
    %scan3A_122 = arith.constant 0 : i32
    %scan3A_123 = arith.constant 15 : i32
    %scan3A_124 = arith.addi %scan3A_122, %scan3A_123 : i32
    %scan3A_125 = arith.constant 1 : i32
    scf.for %scan3A_598 = %scan3A_122 to %scan3A_124 step %scan3A_125  : i32 {
      %mul3A_599 = arith.constant 8 : i32
      %mul3A_600 = arith.muli %scan3A_598, %mul3A_599 : i32
      %add3A_601 = arith.constant 0 : i32
      %add3A_602 = arith.addi %mul3A_600, %add3A_601 : i32
      %dma_wait3A_603 = arith.constant 0 : i32
      %dma_wait3A_604 = arith.constant 0 : i32
      %dma_wait3A_605 = arith.constant 0 : i32
      %dma_wait3A_606 = arith.constant 0 : i32
      %dma_wait3A_607 = tpu.memref_slice %arg6[%dma_wait3A_603, %dma_wait3A_605, %dma_wait3A_606] : memref<8x200x32xf32, #tpu.memory_space<vmem>> -> memref<1x200x32xf32, #tpu.memory_space<vmem>>
      %dma_wait3A_608 = tpu.memref_squeeze %dma_wait3A_607 : memref<1x200x32xf32, #tpu.memory_space<vmem>> -> memref<200x32xf32, #tpu.memory_space<vmem>>
      %dma_wait3A_609 = arith.constant 0 : i32
      %dma_wait3A_610 = tpu.memref_slice %arg5[%add3A_602, %dma_wait3A_609] : memref<128x200xi32, #tpu.memory_space<vmem>> -> memref<1x200xi32, #tpu.memory_space<vmem>>
      %dma_wait3A_611 = tpu.memref_squeeze %dma_wait3A_610 : memref<1x200xi32, #tpu.memory_space<vmem>> -> memref<200xi32, #tpu.memory_space<vmem>>
      %dma_wait3A_612 = arith.constant 0 : i32
      %dma_wait3A_613 = arith.constant 0 : i32
      %dma_wait3A_614 = tpu.memref_slice %arg3[%dma_wait3A_612, %dma_wait3A_613] : memref<1000000x32xf32, #tpu.memory_space<hbm>> -> memref<1000000x32xf32, #tpu.memory_space<hbm>>
      %dma_wait3A_615 = tpu.memref_slice %arg7[%dma_wait3A_604] : memref<8x!tpu.dma_semaphore, #tpu.memory_space<semaphore_mem>> -> memref<1x!tpu.dma_semaphore, #tpu.memory_space<semaphore_mem>>
      %dma_wait3A_616 = tpu.memref_squeeze %dma_wait3A_615 : memref<1x!tpu.dma_semaphore, #tpu.memory_space<semaphore_mem>> -> memref<!tpu.dma_semaphore, #tpu.memory_space<semaphore_mem>>
      tpu.wait_indirect_dma semaphore(%dma_wait3A_616 : memref<!tpu.dma_semaphore, #tpu.memory_space<semaphore_mem>>) src(%dma_wait3A_614 : memref<1000000x32xf32, #tpu.memory_space<hbm>>) dst(%dma_wait3A_608 : memref<200x32xf32, #tpu.memory_space<vmem>>)
      %add3A_617 = arith.addi %mul3A_2, %add3A_602 : i32
      %dma_start3A_618 = arith.constant 0 : i32
      %dma_start3A_619 = arith.constant 0 : i32
      %dma_start3A_620 = arith.constant 0 : i32
      %dma_start3A_621 = arith.constant 0 : i32
      %dma_start3A_622 = tpu.memref_slice %arg6[%dma_start3A_618, %dma_start3A_620, %dma_start3A_621] : memref<8x200x32xf32, #tpu.memory_space<vmem>> -> memref<1x200x32xf32, #tpu.memory_space<vmem>>
      %dma_start3A_623 = tpu.memref_squeeze %dma_start3A_622 : memref<1x200x32xf32, #tpu.memory_space<vmem>> -> memref<200x32xf32, #tpu.memory_space<vmem>>
      %dma_start3A_624 = arith.constant 0 : i32
      %dma_start3A_625 = arith.constant 0 : i32
      %dma_start3A_626 = tpu.memref_slice %arg4[%add3A_617, %dma_start3A_624, %dma_start3A_625] : memref<4096x200x32xf32, #tpu.memory_space<hbm>> -> memref<1x200x32xf32, #tpu.memory_space<hbm>>
      %dma_start3A_627 = tpu.memref_squeeze %dma_start3A_626 : memref<1x200x32xf32, #tpu.memory_space<hbm>> -> memref<200x32xf32, #tpu.memory_space<hbm>>
      %dma_start3A_628 = tpu.memref_slice %arg8[%dma_start3A_619] : memref<8x!tpu.dma_semaphore, #tpu.memory_space<semaphore_mem>> -> memref<1x!tpu.dma_semaphore, #tpu.memory_space<semaphore_mem>>
      %dma_start3A_629 = tpu.memref_squeeze %dma_start3A_628 : memref<1x!tpu.dma_semaphore, #tpu.memory_space<semaphore_mem>> -> memref<!tpu.dma_semaphore, #tpu.memory_space<semaphore_mem>>
      %dma_start3A_630 = arith.constant 0 : i32
      %dma_start3A_631 = arith.constant 0 : i32
      %dma_start3A_632 = tpu.memref_slice %arg4[%add3A_617, %dma_start3A_630, %dma_start3A_631] : memref<4096x200x32xf32, #tpu.memory_space<hbm>> -> memref<1x200x32xf32, #tpu.memory_space<hbm>>
      %dma_start3A_633 = tpu.memref_squeeze %dma_start3A_632 : memref<1x200x32xf32, #tpu.memory_space<hbm>> -> memref<200x32xf32, #tpu.memory_space<hbm>>
      %dma_start3A_634 = arith.constant 0 : i32
      %dma_start3A_635 = arith.constant 0 : i32
      %dma_start3A_636 = tpu.memref_slice %arg6[%dma_start3A_618, %dma_start3A_634, %dma_start3A_635] : memref<8x200x32xf32, #tpu.memory_space<vmem>> -> memref<1x200x32xf32, #tpu.memory_space<vmem>>
      %dma_start3A_637 = tpu.memref_squeeze %dma_start3A_636 : memref<1x200x32xf32, #tpu.memory_space<vmem>> -> memref<200x32xf32, #tpu.memory_space<vmem>>
      tpu.enqueue_dma source(%dma_start3A_637 : memref<200x32xf32, #tpu.memory_space<vmem>>) target(%dma_start3A_633 : memref<200x32xf32, #tpu.memory_space<hbm>>) target_semaphore(%dma_start3A_629 : memref<!tpu.dma_semaphore, #tpu.memory_space<semaphore_mem>>)
      %add3A_638 = arith.addi %mul3A_2, %add3A_602 : i32
      %dma_wait3A_639 = arith.constant 0 : i32
      %dma_wait3A_640 = arith.constant 0 : i32
      %dma_wait3A_641 = arith.constant 0 : i32
      %dma_wait3A_642 = arith.constant 0 : i32
      %dma_wait3A_643 = tpu.memref_slice %arg6[%dma_wait3A_639, %dma_wait3A_641, %dma_wait3A_642] : memref<8x200x32xf32, #tpu.memory_space<vmem>> -> memref<1x200x32xf32, #tpu.memory_space<vmem>>
      %dma_wait3A_644 = tpu.memref_squeeze %dma_wait3A_643 : memref<1x200x32xf32, #tpu.memory_space<vmem>> -> memref<200x32xf32, #tpu.memory_space<vmem>>
      %dma_wait3A_645 = arith.constant 0 : i32
      %dma_wait3A_646 = arith.constant 0 : i32
      %dma_wait3A_647 = tpu.memref_slice %arg4[%add3A_638, %dma_wait3A_645, %dma_wait3A_646] : memref<4096x200x32xf32, #tpu.memory_space<hbm>> -> memref<1x200x32xf32, #tpu.memory_space<hbm>>
      %dma_wait3A_648 = tpu.memref_squeeze %dma_wait3A_647 : memref<1x200x32xf32, #tpu.memory_space<hbm>> -> memref<200x32xf32, #tpu.memory_space<hbm>>
      %dma_wait3A_649 = tpu.memref_slice %arg8[%dma_wait3A_640] : memref<8x!tpu.dma_semaphore, #tpu.memory_space<semaphore_mem>> -> memref<1x!tpu.dma_semaphore, #tpu.memory_space<semaphore_mem>>
      %dma_wait3A_650 = tpu.memref_squeeze %dma_wait3A_649 : memref<1x!tpu.dma_semaphore, #tpu.memory_space<semaphore_mem>> -> memref<!tpu.dma_semaphore, #tpu.memory_space<semaphore_mem>>
      %dma_wait3A_651 = arith.constant 0 : i32
      %dma_wait3A_652 = arith.constant 0 : i32
      %dma_wait3A_653 = tpu.memref_slice %arg4[%add3A_638, %dma_wait3A_651, %dma_wait3A_652] : memref<4096x200x32xf32, #tpu.memory_space<hbm>> -> memref<1x200x32xf32, #tpu.memory_space<hbm>>
      %dma_wait3A_654 = tpu.memref_squeeze %dma_wait3A_653 : memref<1x200x32xf32, #tpu.memory_space<hbm>> -> memref<200x32xf32, #tpu.memory_space<hbm>>
      %dma_wait3A_655 = arith.constant 0 : i32
      %dma_wait3A_656 = arith.constant 0 : i32
      %dma_wait3A_657 = tpu.memref_slice %arg6[%dma_wait3A_639, %dma_wait3A_655, %dma_wait3A_656] : memref<8x200x32xf32, #tpu.memory_space<vmem>> -> memref<1x200x32xf32, #tpu.memory_space<vmem>>
      %dma_wait3A_658 = tpu.memref_squeeze %dma_wait3A_657 : memref<1x200x32xf32, #tpu.memory_space<vmem>> -> memref<200x32xf32, #tpu.memory_space<vmem>>
      tpu.wait_dma2 semaphore(%dma_wait3A_650 : memref<!tpu.dma_semaphore, #tpu.memory_space<semaphore_mem>>) src(%dma_wait3A_658 : memref<200x32xf32, #tpu.memory_space<vmem>>) dst(%dma_wait3A_654 : memref<200x32xf32, #tpu.memory_space<hbm>>)
      %add3A_659 = arith.constant 8 : i32
      %add3A_660 = arith.addi %add3A_602, %add3A_659 : i32
      %dma_start3A_661 = arith.constant 0 : i32
      %dma_start3A_662 = arith.constant 0 : i32
      %dma_start3A_663 = arith.constant 0 : i32
      %dma_start3A_664 = arith.constant 0 : i32
      %dma_start3A_665 = tpu.memref_slice %arg6[%dma_start3A_661, %dma_start3A_663, %dma_start3A_664] : memref<8x200x32xf32, #tpu.memory_space<vmem>> -> memref<1x200x32xf32, #tpu.memory_space<vmem>>
      %dma_start3A_666 = tpu.memref_squeeze %dma_start3A_665 : memref<1x200x32xf32, #tpu.memory_space<vmem>> -> memref<200x32xf32, #tpu.memory_space<vmem>>
      %dma_start3A_667 = arith.constant 0 : i32
      %dma_start3A_668 = tpu.memref_slice %arg5[%add3A_660, %dma_start3A_667] : memref<128x200xi32, #tpu.memory_space<vmem>> -> memref<1x200xi32, #tpu.memory_space<vmem>>
      %dma_start3A_669 = tpu.memref_squeeze %dma_start3A_668 : memref<1x200xi32, #tpu.memory_space<vmem>> -> memref<200xi32, #tpu.memory_space<vmem>>
      %dma_start3A_670 = arith.constant 0 : i32
      %dma_start3A_671 = arith.constant 0 : i32
      %dma_start3A_672 = tpu.memref_slice %arg3[%dma_start3A_670, %dma_start3A_671] : memref<1000000x32xf32, #tpu.memory_space<hbm>> -> memref<1000000x32xf32, #tpu.memory_space<hbm>>
      %dma_start3A_673 = tpu.memref_slice %arg7[%dma_start3A_662] : memref<8x!tpu.dma_semaphore, #tpu.memory_space<semaphore_mem>> -> memref<1x!tpu.dma_semaphore, #tpu.memory_space<semaphore_mem>>
      %dma_start3A_674 = tpu.memref_squeeze %dma_start3A_673 : memref<1x!tpu.dma_semaphore, #tpu.memory_space<semaphore_mem>> -> memref<!tpu.dma_semaphore, #tpu.memory_space<semaphore_mem>>
      tpu.enqueue_indirect_dma source(%dma_start3A_672 : memref<1000000x32xf32, #tpu.memory_space<hbm>>) target(%dma_start3A_666 : memref<200x32xf32, #tpu.memory_space<vmem>>) offsets(%dma_start3A_669 : memref<200xi32, #tpu.memory_space<vmem>>) semaphore(%dma_start3A_674 : memref<!tpu.dma_semaphore, #tpu.memory_space<semaphore_mem>>)
      %add3A_675 = arith.constant 1 : i32
      %add3A_676 = arith.addi %mul3A_600, %add3A_675 : i32
      %dma_wait3A_677 = arith.constant 1 : i32
      %dma_wait3A_678 = arith.constant 1 : i32
      %dma_wait3A_679 = arith.constant 0 : i32
      %dma_wait3A_680 = arith.constant 0 : i32
      %dma_wait3A_681 = tpu.memref_slice %arg6[%dma_wait3A_677, %dma_wait3A_679, %dma_wait3A_680] : memref<8x200x32xf32, #tpu.memory_space<vmem>> -> memref<1x200x32xf32, #tpu.memory_space<vmem>>
      %dma_wait3A_682 = tpu.memref_squeeze %dma_wait3A_681 : memref<1x200x32xf32, #tpu.memory_space<vmem>> -> memref<200x32xf32, #tpu.memory_space<vmem>>
      %dma_wait3A_683 = arith.constant 0 : i32
      %dma_wait3A_684 = tpu.memref_slice %arg5[%add3A_676, %dma_wait3A_683] : memref<128x200xi32, #tpu.memory_space<vmem>> -> memref<1x200xi32, #tpu.memory_space<vmem>>
      %dma_wait3A_685 = tpu.memref_squeeze %dma_wait3A_684 : memref<1x200xi32, #tpu.memory_space<vmem>> -> memref<200xi32, #tpu.memory_space<vmem>>
      %dma_wait3A_686 = arith.constant 0 : i32
      %dma_wait3A_687 = arith.constant 0 : i32
      %dma_wait3A_688 = tpu.memref_slice %arg3[%dma_wait3A_686, %dma_wait3A_687] : memref<1000000x32xf32, #tpu.memory_space<hbm>> -> memref<1000000x32xf32, #tpu.memory_space<hbm>>
      %dma_wait3A_689 = tpu.memref_slice %arg7[%dma_wait3A_678] : memref<8x!tpu.dma_semaphore, #tpu.memory_space<semaphore_mem>> -> memref<1x!tpu.dma_semaphore, #tpu.memory_space<semaphore_mem>>
      %dma_wait3A_690 = tpu.memref_squeeze %dma_wait3A_689 : memref<1x!tpu.dma_semaphore, #tpu.memory_space<semaphore_mem>> -> memref<!tpu.dma_semaphore, #tpu.memory_space<semaphore_mem>>
      tpu.wait_indirect_dma semaphore(%dma_wait3A_690 : memref<!tpu.dma_semaphore, #tpu.memory_space<semaphore_mem>>) src(%dma_wait3A_688 : memref<1000000x32xf32, #tpu.memory_space<hbm>>) dst(%dma_wait3A_682 : memref<200x32xf32, #tpu.memory_space<vmem>>)
      %add3A_691 = arith.addi %mul3A_2, %add3A_676 : i32
      %dma_start3A_692 = arith.constant 1 : i32
      %dma_start3A_693 = arith.constant 1 : i32
      %dma_start3A_694 = arith.constant 0 : i32
      %dma_start3A_695 = arith.constant 0 : i32
      %dma_start3A_696 = tpu.memref_slice %arg6[%dma_start3A_692, %dma_start3A_694, %dma_start3A_695] : memref<8x200x32xf32, #tpu.memory_space<vmem>> -> memref<1x200x32xf32, #tpu.memory_space<vmem>>
      %dma_start3A_697 = tpu.memref_squeeze %dma_start3A_696 : memref<1x200x32xf32, #tpu.memory_space<vmem>> -> memref<200x32xf32, #tpu.memory_space<vmem>>
      %dma_start3A_698 = arith.constant 0 : i32
      %dma_start3A_699 = arith.constant 0 : i32
      %dma_start3A_700 = tpu.memref_slice %arg4[%add3A_691, %dma_start3A_698, %dma_start3A_699] : memref<4096x200x32xf32, #tpu.memory_space<hbm>> -> memref<1x200x32xf32, #tpu.memory_space<hbm>>
      %dma_start3A_701 = tpu.memref_squeeze %dma_start3A_700 : memref<1x200x32xf32, #tpu.memory_space<hbm>> -> memref<200x32xf32, #tpu.memory_space<hbm>>
      %dma_start3A_702 = tpu.memref_slice %arg8[%dma_start3A_693] : memref<8x!tpu.dma_semaphore, #tpu.memory_space<semaphore_mem>> -> memref<1x!tpu.dma_semaphore, #tpu.memory_space<semaphore_mem>>
      %dma_start3A_703 = tpu.memref_squeeze %dma_start3A_702 : memref<1x!tpu.dma_semaphore, #tpu.memory_space<semaphore_mem>> -> memref<!tpu.dma_semaphore, #tpu.memory_space<semaphore_mem>>
      %dma_start3A_704 = arith.constant 0 : i32
      %dma_start3A_705 = arith.constant 0 : i32
      %dma_start3A_706 = tpu.memref_slice %arg4[%add3A_691, %dma_start3A_704, %dma_start3A_705] : memref<4096x200x32xf32, #tpu.memory_space<hbm>> -> memref<1x200x32xf32, #tpu.memory_space<hbm>>
      %dma_start3A_707 = tpu.memref_squeeze %dma_start3A_706 : memref<1x200x32xf32, #tpu.memory_space<hbm>> -> memref<200x32xf32, #tpu.memory_space<hbm>>
      %dma_start3A_708 = arith.constant 0 : i32
      %dma_start3A_709 = arith.constant 0 : i32
      %dma_start3A_710 = tpu.memref_slice %arg6[%dma_start3A_692, %dma_start3A_708, %dma_start3A_709] : memref<8x200x32xf32, #tpu.memory_space<vmem>> -> memref<1x200x32xf32, #tpu.memory_space<vmem>>
      %dma_start3A_711 = tpu.memref_squeeze %dma_start3A_710 : memref<1x200x32xf32, #tpu.memory_space<vmem>> -> memref<200x32xf32, #tpu.memory_space<vmem>>
      tpu.enqueue_dma source(%dma_start3A_711 : memref<200x32xf32, #tpu.memory_space<vmem>>) target(%dma_start3A_707 : memref<200x32xf32, #tpu.memory_space<hbm>>) target_semaphore(%dma_start3A_703 : memref<!tpu.dma_semaphore, #tpu.memory_space<semaphore_mem>>)
      %add3A_712 = arith.addi %mul3A_2, %add3A_676 : i32
      %dma_wait3A_713 = arith.constant 1 : i32
      %dma_wait3A_714 = arith.constant 1 : i32
      %dma_wait3A_715 = arith.constant 0 : i32
      %dma_wait3A_716 = arith.constant 0 : i32
      %dma_wait3A_717 = tpu.memref_slice %arg6[%dma_wait3A_713, %dma_wait3A_715, %dma_wait3A_716] : memref<8x200x32xf32, #tpu.memory_space<vmem>> -> memref<1x200x32xf32, #tpu.memory_space<vmem>>
      %dma_wait3A_718 = tpu.memref_squeeze %dma_wait3A_717 : memref<1x200x32xf32, #tpu.memory_space<vmem>> -> memref<200x32xf32, #tpu.memory_space<vmem>>
      %dma_wait3A_719 = arith.constant 0 : i32
      %dma_wait3A_720 = arith.constant 0 : i32
      %dma_wait3A_721 = tpu.memref_slice %arg4[%add3A_712, %dma_wait3A_719, %dma_wait3A_720] : memref<4096x200x32xf32, #tpu.memory_space<hbm>> -> memref<1x200x32xf32, #tpu.memory_space<hbm>>
      %dma_wait3A_722 = tpu.memref_squeeze %dma_wait3A_721 : memref<1x200x32xf32, #tpu.memory_space<hbm>> -> memref<200x32xf32, #tpu.memory_space<hbm>>
      %dma_wait3A_723 = tpu.memref_slice %arg8[%dma_wait3A_714] : memref<8x!tpu.dma_semaphore, #tpu.memory_space<semaphore_mem>> -> memref<1x!tpu.dma_semaphore, #tpu.memory_space<semaphore_mem>>
      %dma_wait3A_724 = tpu.memref_squeeze %dma_wait3A_723 : memref<1x!tpu.dma_semaphore, #tpu.memory_space<semaphore_mem>> -> memref<!tpu.dma_semaphore, #tpu.memory_space<semaphore_mem>>
      %dma_wait3A_725 = arith.constant 0 : i32
      %dma_wait3A_726 = arith.constant 0 : i32
      %dma_wait3A_727 = tpu.memref_slice %arg4[%add3A_712, %dma_wait3A_725, %dma_wait3A_726] : memref<4096x200x32xf32, #tpu.memory_space<hbm>> -> memref<1x200x32xf32, #tpu.memory_space<hbm>>
      %dma_wait3A_728 = tpu.memref_squeeze %dma_wait3A_727 : memref<1x200x32xf32, #tpu.memory_space<hbm>> -> memref<200x32xf32, #tpu.memory_space<hbm>>
      %dma_wait3A_729 = arith.constant 0 : i32
      %dma_wait3A_730 = arith.constant 0 : i32
      %dma_wait3A_731 = tpu.memref_slice %arg6[%dma_wait3A_713, %dma_wait3A_729, %dma_wait3A_730] : memref<8x200x32xf32, #tpu.memory_space<vmem>> -> memref<1x200x32xf32, #tpu.memory_space<vmem>>
      %dma_wait3A_732 = tpu.memref_squeeze %dma_wait3A_731 : memref<1x200x32xf32, #tpu.memory_space<vmem>> -> memref<200x32xf32, #tpu.memory_space<vmem>>
      tpu.wait_dma2 semaphore(%dma_wait3A_724 : memref<!tpu.dma_semaphore, #tpu.memory_space<semaphore_mem>>) src(%dma_wait3A_732 : memref<200x32xf32, #tpu.memory_space<vmem>>) dst(%dma_wait3A_728 : memref<200x32xf32, #tpu.memory_space<hbm>>)
      %add3A_733 = arith.constant 8 : i32
      %add3A_734 = arith.addi %add3A_676, %add3A_733 : i32
      %dma_start3A_735 = arith.constant 1 : i32
      %dma_start3A_736 = arith.constant 1 : i32
      %dma_start3A_737 = arith.constant 0 : i32
      %dma_start3A_738 = arith.constant 0 : i32
      %dma_start3A_739 = tpu.memref_slice %arg6[%dma_start3A_735, %dma_start3A_737, %dma_start3A_738] : memref<8x200x32xf32, #tpu.memory_space<vmem>> -> memref<1x200x32xf32, #tpu.memory_space<vmem>>
      %dma_start3A_740 = tpu.memref_squeeze %dma_start3A_739 : memref<1x200x32xf32, #tpu.memory_space<vmem>> -> memref<200x32xf32, #tpu.memory_space<vmem>>
      %dma_start3A_741 = arith.constant 0 : i32
      %dma_start3A_742 = tpu.memref_slice %arg5[%add3A_734, %dma_start3A_741] : memref<128x200xi32, #tpu.memory_space<vmem>> -> memref<1x200xi32, #tpu.memory_space<vmem>>
      %dma_start3A_743 = tpu.memref_squeeze %dma_start3A_742 : memref<1x200xi32, #tpu.memory_space<vmem>> -> memref<200xi32, #tpu.memory_space<vmem>>
      %dma_start3A_744 = arith.constant 0 : i32
      %dma_start3A_745 = arith.constant 0 : i32
      %dma_start3A_746 = tpu.memref_slice %arg3[%dma_start3A_744, %dma_start3A_745] : memref<1000000x32xf32, #tpu.memory_space<hbm>> -> memref<1000000x32xf32, #tpu.memory_space<hbm>>
      %dma_start3A_747 = tpu.memref_slice %arg7[%dma_start3A_736] : memref<8x!tpu.dma_semaphore, #tpu.memory_space<semaphore_mem>> -> memref<1x!tpu.dma_semaphore, #tpu.memory_space<semaphore_mem>>
      %dma_start3A_748 = tpu.memref_squeeze %dma_start3A_747 : memref<1x!tpu.dma_semaphore, #tpu.memory_space<semaphore_mem>> -> memref<!tpu.dma_semaphore, #tpu.memory_space<semaphore_mem>>
      tpu.enqueue_indirect_dma source(%dma_start3A_746 : memref<1000000x32xf32, #tpu.memory_space<hbm>>) target(%dma_start3A_740 : memref<200x32xf32, #tpu.memory_space<vmem>>) offsets(%dma_start3A_743 : memref<200xi32, #tpu.memory_space<vmem>>) semaphore(%dma_start3A_748 : memref<!tpu.dma_semaphore, #tpu.memory_space<semaphore_mem>>)
      %add3A_749 = arith.constant 2 : i32
      %add3A_750 = arith.addi %mul3A_600, %add3A_749 : i32
      %dma_wait3A_751 = arith.constant 2 : i32
      %dma_wait3A_752 = arith.constant 2 : i32
      %dma_wait3A_753 = arith.constant 0 : i32
      %dma_wait3A_754 = arith.constant 0 : i32
      %dma_wait3A_755 = tpu.memref_slice %arg6[%dma_wait3A_751, %dma_wait3A_753, %dma_wait3A_754] : memref<8x200x32xf32, #tpu.memory_space<vmem>> -> memref<1x200x32xf32, #tpu.memory_space<vmem>>
      %dma_wait3A_756 = tpu.memref_squeeze %dma_wait3A_755 : memref<1x200x32xf32, #tpu.memory_space<vmem>> -> memref<200x32xf32, #tpu.memory_space<vmem>>
      %dma_wait3A_757 = arith.constant 0 : i32
      %dma_wait3A_758 = tpu.memref_slice %arg5[%add3A_750, %dma_wait3A_757] : memref<128x200xi32, #tpu.memory_space<vmem>> -> memref<1x200xi32, #tpu.memory_space<vmem>>
      %dma_wait3A_759 = tpu.memref_squeeze %dma_wait3A_758 : memref<1x200xi32, #tpu.memory_space<vmem>> -> memref<200xi32, #tpu.memory_space<vmem>>
      %dma_wait3A_760 = arith.constant 0 : i32
      %dma_wait3A_761 = arith.constant 0 : i32
      %dma_wait3A_762 = tpu.memref_slice %arg3[%dma_wait3A_760, %dma_wait3A_761] : memref<1000000x32xf32, #tpu.memory_space<hbm>> -> memref<1000000x32xf32, #tpu.memory_space<hbm>>
      %dma_wait3A_763 = tpu.memref_slice %arg7[%dma_wait3A_752] : memref<8x!tpu.dma_semaphore, #tpu.memory_space<semaphore_mem>> -> memref<1x!tpu.dma_semaphore, #tpu.memory_space<semaphore_mem>>
      %dma_wait3A_764 = tpu.memref_squeeze %dma_wait3A_763 : memref<1x!tpu.dma_semaphore, #tpu.memory_space<semaphore_mem>> -> memref<!tpu.dma_semaphore, #tpu.memory_space<semaphore_mem>>
      tpu.wait_indirect_dma semaphore(%dma_wait3A_764 : memref<!tpu.dma_semaphore, #tpu.memory_space<semaphore_mem>>) src(%dma_wait3A_762 : memref<1000000x32xf32, #tpu.memory_space<hbm>>) dst(%dma_wait3A_756 : memref<200x32xf32, #tpu.memory_space<vmem>>)
      %add3A_765 = arith.addi %mul3A_2, %add3A_750 : i32
      %dma_start3A_766 = arith.constant 2 : i32
      %dma_start3A_767 = arith.constant 2 : i32
      %dma_start3A_768 = arith.constant 0 : i32
      %dma_start3A_769 = arith.constant 0 : i32
      %dma_start3A_770 = tpu.memref_slice %arg6[%dma_start3A_766, %dma_start3A_768, %dma_start3A_769] : memref<8x200x32xf32, #tpu.memory_space<vmem>> -> memref<1x200x32xf32, #tpu.memory_space<vmem>>
      %dma_start3A_771 = tpu.memref_squeeze %dma_start3A_770 : memref<1x200x32xf32, #tpu.memory_space<vmem>> -> memref<200x32xf32, #tpu.memory_space<vmem>>
      %dma_start3A_772 = arith.constant 0 : i32
      %dma_start3A_773 = arith.constant 0 : i32
      %dma_start3A_774 = tpu.memref_slice %arg4[%add3A_765, %dma_start3A_772, %dma_start3A_773] : memref<4096x200x32xf32, #tpu.memory_space<hbm>> -> memref<1x200x32xf32, #tpu.memory_space<hbm>>
      %dma_start3A_775 = tpu.memref_squeeze %dma_start3A_774 : memref<1x200x32xf32, #tpu.memory_space<hbm>> -> memref<200x32xf32, #tpu.memory_space<hbm>>
      %dma_start3A_776 = tpu.memref_slice %arg8[%dma_start3A_767] : memref<8x!tpu.dma_semaphore, #tpu.memory_space<semaphore_mem>> -> memref<1x!tpu.dma_semaphore, #tpu.memory_space<semaphore_mem>>
      %dma_start3A_777 = tpu.memref_squeeze %dma_start3A_776 : memref<1x!tpu.dma_semaphore, #tpu.memory_space<semaphore_mem>> -> memref<!tpu.dma_semaphore, #tpu.memory_space<semaphore_mem>>
      %dma_start3A_778 = arith.constant 0 : i32
      %dma_start3A_779 = arith.constant 0 : i32
      %dma_start3A_780 = tpu.memref_slice %arg4[%add3A_765, %dma_start3A_778, %dma_start3A_779] : memref<4096x200x32xf32, #tpu.memory_space<hbm>> -> memref<1x200x32xf32, #tpu.memory_space<hbm>>
      %dma_start3A_781 = tpu.memref_squeeze %dma_start3A_780 : memref<1x200x32xf32, #tpu.memory_space<hbm>> -> memref<200x32xf32, #tpu.memory_space<hbm>>
      %dma_start3A_782 = arith.constant 0 : i32
      %dma_start3A_783 = arith.constant 0 : i32
      %dma_start3A_784 = tpu.memref_slice %arg6[%dma_start3A_766, %dma_start3A_782, %dma_start3A_783] : memref<8x200x32xf32, #tpu.memory_space<vmem>> -> memref<1x200x32xf32, #tpu.memory_space<vmem>>
      %dma_start3A_785 = tpu.memref_squeeze %dma_start3A_784 : memref<1x200x32xf32, #tpu.memory_space<vmem>> -> memref<200x32xf32, #tpu.memory_space<vmem>>
      tpu.enqueue_dma source(%dma_start3A_785 : memref<200x32xf32, #tpu.memory_space<vmem>>) target(%dma_start3A_781 : memref<200x32xf32, #tpu.memory_space<hbm>>) target_semaphore(%dma_start3A_777 : memref<!tpu.dma_semaphore, #tpu.memory_space<semaphore_mem>>)
      %add3A_786 = arith.addi %mul3A_2, %add3A_750 : i32
      %dma_wait3A_787 = arith.constant 2 : i32
      %dma_wait3A_788 = arith.constant 2 : i32
      %dma_wait3A_789 = arith.constant 0 : i32
      %dma_wait3A_790 = arith.constant 0 : i32
      %dma_wait3A_791 = tpu.memref_slice %arg6[%dma_wait3A_787, %dma_wait3A_789, %dma_wait3A_790] : memref<8x200x32xf32, #tpu.memory_space<vmem>> -> memref<1x200x32xf32, #tpu.memory_space<vmem>>
      %dma_wait3A_792 = tpu.memref_squeeze %dma_wait3A_791 : memref<1x200x32xf32, #tpu.memory_space<vmem>> -> memref<200x32xf32, #tpu.memory_space<vmem>>
      %dma_wait3A_793 = arith.constant 0 : i32
      %dma_wait3A_794 = arith.constant 0 : i32
      %dma_wait3A_795 = tpu.memref_slice %arg4[%add3A_786, %dma_wait3A_793, %dma_wait3A_794] : memref<4096x200x32xf32, #tpu.memory_space<hbm>> -> memref<1x200x32xf32, #tpu.memory_space<hbm>>
      %dma_wait3A_796 = tpu.memref_squeeze %dma_wait3A_795 : memref<1x200x32xf32, #tpu.memory_space<hbm>> -> memref<200x32xf32, #tpu.memory_space<hbm>>
      %dma_wait3A_797 = tpu.memref_slice %arg8[%dma_wait3A_788] : memref<8x!tpu.dma_semaphore, #tpu.memory_space<semaphore_mem>> -> memref<1x!tpu.dma_semaphore, #tpu.memory_space<semaphore_mem>>
      %dma_wait3A_798 = tpu.memref_squeeze %dma_wait3A_797 : memref<1x!tpu.dma_semaphore, #tpu.memory_space<semaphore_mem>> -> memref<!tpu.dma_semaphore, #tpu.memory_space<semaphore_mem>>
      %dma_wait3A_799 = arith.constant 0 : i32
      %dma_wait3A_800 = arith.constant 0 : i32
      %dma_wait3A_801 = tpu.memref_slice %arg4[%add3A_786, %dma_wait3A_799, %dma_wait3A_800] : memref<4096x200x32xf32, #tpu.memory_space<hbm>> -> memref<1x200x32xf32, #tpu.memory_space<hbm>>
      %dma_wait3A_802 = tpu.memref_squeeze %dma_wait3A_801 : memref<1x200x32xf32, #tpu.memory_space<hbm>> -> memref<200x32xf32, #tpu.memory_space<hbm>>
      %dma_wait3A_803 = arith.constant 0 : i32
      %dma_wait3A_804 = arith.constant 0 : i32
      %dma_wait3A_805 = tpu.memref_slice %arg6[%dma_wait3A_787, %dma_wait3A_803, %dma_wait3A_804] : memref<8x200x32xf32, #tpu.memory_space<vmem>> -> memref<1x200x32xf32, #tpu.memory_space<vmem>>
      %dma_wait3A_806 = tpu.memref_squeeze %dma_wait3A_805 : memref<1x200x32xf32, #tpu.memory_space<vmem>> -> memref<200x32xf32, #tpu.memory_space<vmem>>
      tpu.wait_dma2 semaphore(%dma_wait3A_798 : memref<!tpu.dma_semaphore, #tpu.memory_space<semaphore_mem>>) src(%dma_wait3A_806 : memref<200x32xf32, #tpu.memory_space<vmem>>) dst(%dma_wait3A_802 : memref<200x32xf32, #tpu.memory_space<hbm>>)
      %add3A_807 = arith.constant 8 : i32
      %add3A_808 = arith.addi %add3A_750, %add3A_807 : i32
      %dma_start3A_809 = arith.constant 2 : i32
      %dma_start3A_810 = arith.constant 2 : i32
      %dma_start3A_811 = arith.constant 0 : i32
      %dma_start3A_812 = arith.constant 0 : i32
      %dma_start3A_813 = tpu.memref_slice %arg6[%dma_start3A_809, %dma_start3A_811, %dma_start3A_812] : memref<8x200x32xf32, #tpu.memory_space<vmem>> -> memref<1x200x32xf32, #tpu.memory_space<vmem>>
      %dma_start3A_814 = tpu.memref_squeeze %dma_start3A_813 : memref<1x200x32xf32, #tpu.memory_space<vmem>> -> memref<200x32xf32, #tpu.memory_space<vmem>>
      %dma_start3A_815 = arith.constant 0 : i32
      %dma_start3A_816 = tpu.memref_slice %arg5[%add3A_808, %dma_start3A_815] : memref<128x200xi32, #tpu.memory_space<vmem>> -> memref<1x200xi32, #tpu.memory_space<vmem>>
      %dma_start3A_817 = tpu.memref_squeeze %dma_start3A_816 : memref<1x200xi32, #tpu.memory_space<vmem>> -> memref<200xi32, #tpu.memory_space<vmem>>
      %dma_start3A_818 = arith.constant 0 : i32
      %dma_start3A_819 = arith.constant 0 : i32
      %dma_start3A_820 = tpu.memref_slice %arg3[%dma_start3A_818, %dma_start3A_819] : memref<1000000x32xf32, #tpu.memory_space<hbm>> -> memref<1000000x32xf32, #tpu.memory_space<hbm>>
      %dma_start3A_821 = tpu.memref_slice %arg7[%dma_start3A_810] : memref<8x!tpu.dma_semaphore, #tpu.memory_space<semaphore_mem>> -> memref<1x!tpu.dma_semaphore, #tpu.memory_space<semaphore_mem>>
      %dma_start3A_822 = tpu.memref_squeeze %dma_start3A_821 : memref<1x!tpu.dma_semaphore, #tpu.memory_space<semaphore_mem>> -> memref<!tpu.dma_semaphore, #tpu.memory_space<semaphore_mem>>
      tpu.enqueue_indirect_dma source(%dma_start3A_820 : memref<1000000x32xf32, #tpu.memory_space<hbm>>) target(%dma_start3A_814 : memref<200x32xf32, #tpu.memory_space<vmem>>) offsets(%dma_start3A_817 : memref<200xi32, #tpu.memory_space<vmem>>) semaphore(%dma_start3A_822 : memref<!tpu.dma_semaphore, #tpu.memory_space<semaphore_mem>>)
      %add3A_823 = arith.constant 3 : i32
      %add3A_824 = arith.addi %mul3A_600, %add3A_823 : i32
      %dma_wait3A_825 = arith.constant 3 : i32
      %dma_wait3A_826 = arith.constant 3 : i32
      %dma_wait3A_827 = arith.constant 0 : i32
      %dma_wait3A_828 = arith.constant 0 : i32
      %dma_wait3A_829 = tpu.memref_slice %arg6[%dma_wait3A_825, %dma_wait3A_827, %dma_wait3A_828] : memref<8x200x32xf32, #tpu.memory_space<vmem>> -> memref<1x200x32xf32, #tpu.memory_space<vmem>>
      %dma_wait3A_830 = tpu.memref_squeeze %dma_wait3A_829 : memref<1x200x32xf32, #tpu.memory_space<vmem>> -> memref<200x32xf32, #tpu.memory_space<vmem>>
      %dma_wait3A_831 = arith.constant 0 : i32
      %dma_wait3A_832 = tpu.memref_slice %arg5[%add3A_824, %dma_wait3A_831] : memref<128x200xi32, #tpu.memory_space<vmem>> -> memref<1x200xi32, #tpu.memory_space<vmem>>
      %dma_wait3A_833 = tpu.memref_squeeze %dma_wait3A_832 : memref<1x200xi32, #tpu.memory_space<vmem>> -> memref<200xi32, #tpu.memory_space<vmem>>
      %dma_wait3A_834 = arith.constant 0 : i32
      %dma_wait3A_835 = arith.constant 0 : i32
      %dma_wait3A_836 = tpu.memref_slice %arg3[%dma_wait3A_834, %dma_wait3A_835] : memref<1000000x32xf32, #tpu.memory_space<hbm>> -> memref<1000000x32xf32, #tpu.memory_space<hbm>>
      %dma_wait3A_837 = tpu.memref_slice %arg7[%dma_wait3A_826] : memref<8x!tpu.dma_semaphore, #tpu.memory_space<semaphore_mem>> -> memref<1x!tpu.dma_semaphore, #tpu.memory_space<semaphore_mem>>
      %dma_wait3A_838 = tpu.memref_squeeze %dma_wait3A_837 : memref<1x!tpu.dma_semaphore, #tpu.memory_space<semaphore_mem>> -> memref<!tpu.dma_semaphore, #tpu.memory_space<semaphore_mem>>
      tpu.wait_indirect_dma semaphore(%dma_wait3A_838 : memref<!tpu.dma_semaphore, #tpu.memory_space<semaphore_mem>>) src(%dma_wait3A_836 : memref<1000000x32xf32, #tpu.memory_space<hbm>>) dst(%dma_wait3A_830 : memref<200x32xf32, #tpu.memory_space<vmem>>)
      %add3A_839 = arith.addi %mul3A_2, %add3A_824 : i32
      %dma_start3A_840 = arith.constant 3 : i32
      %dma_start3A_841 = arith.constant 3 : i32
      %dma_start3A_842 = arith.constant 0 : i32
      %dma_start3A_843 = arith.constant 0 : i32
      %dma_start3A_844 = tpu.memref_slice %arg6[%dma_start3A_840, %dma_start3A_842, %dma_start3A_843] : memref<8x200x32xf32, #tpu.memory_space<vmem>> -> memref<1x200x32xf32, #tpu.memory_space<vmem>>
      %dma_start3A_845 = tpu.memref_squeeze %dma_start3A_844 : memref<1x200x32xf32, #tpu.memory_space<vmem>> -> memref<200x32xf32, #tpu.memory_space<vmem>>
      %dma_start3A_846 = arith.constant 0 : i32
      %dma_start3A_847 = arith.constant 0 : i32
      %dma_start3A_848 = tpu.memref_slice %arg4[%add3A_839, %dma_start3A_846, %dma_start3A_847] : memref<4096x200x32xf32, #tpu.memory_space<hbm>> -> memref<1x200x32xf32, #tpu.memory_space<hbm>>
      %dma_start3A_849 = tpu.memref_squeeze %dma_start3A_848 : memref<1x200x32xf32, #tpu.memory_space<hbm>> -> memref<200x32xf32, #tpu.memory_space<hbm>>
      %dma_start3A_850 = tpu.memref_slice %arg8[%dma_start3A_841] : memref<8x!tpu.dma_semaphore, #tpu.memory_space<semaphore_mem>> -> memref<1x!tpu.dma_semaphore, #tpu.memory_space<semaphore_mem>>
      %dma_start3A_851 = tpu.memref_squeeze %dma_start3A_850 : memref<1x!tpu.dma_semaphore, #tpu.memory_space<semaphore_mem>> -> memref<!tpu.dma_semaphore, #tpu.memory_space<semaphore_mem>>
      %dma_start3A_852 = arith.constant 0 : i32
      %dma_start3A_853 = arith.constant 0 : i32
      %dma_start3A_854 = tpu.memref_slice %arg4[%add3A_839, %dma_start3A_852, %dma_start3A_853] : memref<4096x200x32xf32, #tpu.memory_space<hbm>> -> memref<1x200x32xf32, #tpu.memory_space<hbm>>
      %dma_start3A_855 = tpu.memref_squeeze %dma_start3A_854 : memref<1x200x32xf32, #tpu.memory_space<hbm>> -> memref<200x32xf32, #tpu.memory_space<hbm>>
      %dma_start3A_856 = arith.constant 0 : i32
      %dma_start3A_857 = arith.constant 0 : i32
      %dma_start3A_858 = tpu.memref_slice %arg6[%dma_start3A_840, %dma_start3A_856, %dma_start3A_857] : memref<8x200x32xf32, #tpu.memory_space<vmem>> -> memref<1x200x32xf32, #tpu.memory_space<vmem>>
      %dma_start3A_859 = tpu.memref_squeeze %dma_start3A_858 : memref<1x200x32xf32, #tpu.memory_space<vmem>> -> memref<200x32xf32, #tpu.memory_space<vmem>>
      tpu.enqueue_dma source(%dma_start3A_859 : memref<200x32xf32, #tpu.memory_space<vmem>>) target(%dma_start3A_855 : memref<200x32xf32, #tpu.memory_space<hbm>>) target_semaphore(%dma_start3A_851 : memref<!tpu.dma_semaphore, #tpu.memory_space<semaphore_mem>>)
      %add3A_860 = arith.addi %mul3A_2, %add3A_824 : i32
      %dma_wait3A_861 = arith.constant 3 : i32
      %dma_wait3A_862 = arith.constant 3 : i32
      %dma_wait3A_863 = arith.constant 0 : i32
      %dma_wait3A_864 = arith.constant 0 : i32
      %dma_wait3A_865 = tpu.memref_slice %arg6[%dma_wait3A_861, %dma_wait3A_863, %dma_wait3A_864] : memref<8x200x32xf32, #tpu.memory_space<vmem>> -> memref<1x200x32xf32, #tpu.memory_space<vmem>>
      %dma_wait3A_866 = tpu.memref_squeeze %dma_wait3A_865 : memref<1x200x32xf32, #tpu.memory_space<vmem>> -> memref<200x32xf32, #tpu.memory_space<vmem>>
      %dma_wait3A_867 = arith.constant 0 : i32
      %dma_wait3A_868 = arith.constant 0 : i32
      %dma_wait3A_869 = tpu.memref_slice %arg4[%add3A_860, %dma_wait3A_867, %dma_wait3A_868] : memref<4096x200x32xf32, #tpu.memory_space<hbm>> -> memref<1x200x32xf32, #tpu.memory_space<hbm>>
      %dma_wait3A_870 = tpu.memref_squeeze %dma_wait3A_869 : memref<1x200x32xf32, #tpu.memory_space<hbm>> -> memref<200x32xf32, #tpu.memory_space<hbm>>
      %dma_wait3A_871 = tpu.memref_slice %arg8[%dma_wait3A_862] : memref<8x!tpu.dma_semaphore, #tpu.memory_space<semaphore_mem>> -> memref<1x!tpu.dma_semaphore, #tpu.memory_space<semaphore_mem>>
      %dma_wait3A_872 = tpu.memref_squeeze %dma_wait3A_871 : memref<1x!tpu.dma_semaphore, #tpu.memory_space<semaphore_mem>> -> memref<!tpu.dma_semaphore, #tpu.memory_space<semaphore_mem>>
      %dma_wait3A_873 = arith.constant 0 : i32
      %dma_wait3A_874 = arith.constant 0 : i32
      %dma_wait3A_875 = tpu.memref_slice %arg4[%add3A_860, %dma_wait3A_873, %dma_wait3A_874] : memref<4096x200x32xf32, #tpu.memory_space<hbm>> -> memref<1x200x32xf32, #tpu.memory_space<hbm>>
      %dma_wait3A_876 = tpu.memref_squeeze %dma_wait3A_875 : memref<1x200x32xf32, #tpu.memory_space<hbm>> -> memref<200x32xf32, #tpu.memory_space<hbm>>
      %dma_wait3A_877 = arith.constant 0 : i32
      %dma_wait3A_878 = arith.constant 0 : i32
      %dma_wait3A_879 = tpu.memref_slice %arg6[%dma_wait3A_861, %dma_wait3A_877, %dma_wait3A_878] : memref<8x200x32xf32, #tpu.memory_space<vmem>> -> memref<1x200x32xf32, #tpu.memory_space<vmem>>
      %dma_wait3A_880 = tpu.memref_squeeze %dma_wait3A_879 : memref<1x200x32xf32, #tpu.memory_space<vmem>> -> memref<200x32xf32, #tpu.memory_space<vmem>>
      tpu.wait_dma2 semaphore(%dma_wait3A_872 : memref<!tpu.dma_semaphore, #tpu.memory_space<semaphore_mem>>) src(%dma_wait3A_880 : memref<200x32xf32, #tpu.memory_space<vmem>>) dst(%dma_wait3A_876 : memref<200x32xf32, #tpu.memory_space<hbm>>)
      %add3A_881 = arith.constant 8 : i32
      %add3A_882 = arith.addi %add3A_824, %add3A_881 : i32
      %dma_start3A_883 = arith.constant 3 : i32
      %dma_start3A_884 = arith.constant 3 : i32
      %dma_start3A_885 = arith.constant 0 : i32
      %dma_start3A_886 = arith.constant 0 : i32
      %dma_start3A_887 = tpu.memref_slice %arg6[%dma_start3A_883, %dma_start3A_885, %dma_start3A_886] : memref<8x200x32xf32, #tpu.memory_space<vmem>> -> memref<1x200x32xf32, #tpu.memory_space<vmem>>
      %dma_start3A_888 = tpu.memref_squeeze %dma_start3A_887 : memref<1x200x32xf32, #tpu.memory_space<vmem>> -> memref<200x32xf32, #tpu.memory_space<vmem>>
      %dma_start3A_889 = arith.constant 0 : i32
      %dma_start3A_890 = tpu.memref_slice %arg5[%add3A_882, %dma_start3A_889] : memref<128x200xi32, #tpu.memory_space<vmem>> -> memref<1x200xi32, #tpu.memory_space<vmem>>
      %dma_start3A_891 = tpu.memref_squeeze %dma_start3A_890 : memref<1x200xi32, #tpu.memory_space<vmem>> -> memref<200xi32, #tpu.memory_space<vmem>>
      %dma_start3A_892 = arith.constant 0 : i32
      %dma_start3A_893 = arith.constant 0 : i32
      %dma_start3A_894 = tpu.memref_slice %arg3[%dma_start3A_892, %dma_start3A_893] : memref<1000000x32xf32, #tpu.memory_space<hbm>> -> memref<1000000x32xf32, #tpu.memory_space<hbm>>
      %dma_start3A_895 = tpu.memref_slice %arg7[%dma_start3A_884] : memref<8x!tpu.dma_semaphore, #tpu.memory_space<semaphore_mem>> -> memref<1x!tpu.dma_semaphore, #tpu.memory_space<semaphore_mem>>
      %dma_start3A_896 = tpu.memref_squeeze %dma_start3A_895 : memref<1x!tpu.dma_semaphore, #tpu.memory_space<semaphore_mem>> -> memref<!tpu.dma_semaphore, #tpu.memory_space<semaphore_mem>>
      tpu.enqueue_indirect_dma source(%dma_start3A_894 : memref<1000000x32xf32, #tpu.memory_space<hbm>>) target(%dma_start3A_888 : memref<200x32xf32, #tpu.memory_space<vmem>>) offsets(%dma_start3A_891 : memref<200xi32, #tpu.memory_space<vmem>>) semaphore(%dma_start3A_896 : memref<!tpu.dma_semaphore, #tpu.memory_space<semaphore_mem>>)
      %add3A_897 = arith.constant 4 : i32
      %add3A_898 = arith.addi %mul3A_600, %add3A_897 : i32
      %dma_wait3A_899 = arith.constant 4 : i32
      %dma_wait3A_900 = arith.constant 4 : i32
      %dma_wait3A_901 = arith.constant 0 : i32
      %dma_wait3A_902 = arith.constant 0 : i32
      %dma_wait3A_903 = tpu.memref_slice %arg6[%dma_wait3A_899, %dma_wait3A_901, %dma_wait3A_902] : memref<8x200x32xf32, #tpu.memory_space<vmem>> -> memref<1x200x32xf32, #tpu.memory_space<vmem>>
      %dma_wait3A_904 = tpu.memref_squeeze %dma_wait3A_903 : memref<1x200x32xf32, #tpu.memory_space<vmem>> -> memref<200x32xf32, #tpu.memory_space<vmem>>
      %dma_wait3A_905 = arith.constant 0 : i32
      %dma_wait3A_906 = tpu.memref_slice %arg5[%add3A_898, %dma_wait3A_905] : memref<128x200xi32, #tpu.memory_space<vmem>> -> memref<1x200xi32, #tpu.memory_space<vmem>>
      %dma_wait3A_907 = tpu.memref_squeeze %dma_wait3A_906 : memref<1x200xi32, #tpu.memory_space<vmem>> -> memref<200xi32, #tpu.memory_space<vmem>>
      %dma_wait3A_908 = arith.constant 0 : i32
      %dma_wait3A_909 = arith.constant 0 : i32
      %dma_wait3A_910 = tpu.memref_slice %arg3[%dma_wait3A_908, %dma_wait3A_909] : memref<1000000x32xf32, #tpu.memory_space<hbm>> -> memref<1000000x32xf32, #tpu.memory_space<hbm>>
      %dma_wait3A_911 = tpu.memref_slice %arg7[%dma_wait3A_900] : memref<8x!tpu.dma_semaphore, #tpu.memory_space<semaphore_mem>> -> memref<1x!tpu.dma_semaphore, #tpu.memory_space<semaphore_mem>>
      %dma_wait3A_912 = tpu.memref_squeeze %dma_wait3A_911 : memref<1x!tpu.dma_semaphore, #tpu.memory_space<semaphore_mem>> -> memref<!tpu.dma_semaphore, #tpu.memory_space<semaphore_mem>>
      tpu.wait_indirect_dma semaphore(%dma_wait3A_912 : memref<!tpu.dma_semaphore, #tpu.memory_space<semaphore_mem>>) src(%dma_wait3A_910 : memref<1000000x32xf32, #tpu.memory_space<hbm>>) dst(%dma_wait3A_904 : memref<200x32xf32, #tpu.memory_space<vmem>>)
      %add3A_913 = arith.addi %mul3A_2, %add3A_898 : i32
      %dma_start3A_914 = arith.constant 4 : i32
      %dma_start3A_915 = arith.constant 4 : i32
      %dma_start3A_916 = arith.constant 0 : i32
      %dma_start3A_917 = arith.constant 0 : i32
      %dma_start3A_918 = tpu.memref_slice %arg6[%dma_start3A_914, %dma_start3A_916, %dma_start3A_917] : memref<8x200x32xf32, #tpu.memory_space<vmem>> -> memref<1x200x32xf32, #tpu.memory_space<vmem>>
      %dma_start3A_919 = tpu.memref_squeeze %dma_start3A_918 : memref<1x200x32xf32, #tpu.memory_space<vmem>> -> memref<200x32xf32, #tpu.memory_space<vmem>>
      %dma_start3A_920 = arith.constant 0 : i32
      %dma_start3A_921 = arith.constant 0 : i32
      %dma_start3A_922 = tpu.memref_slice %arg4[%add3A_913, %dma_start3A_920, %dma_start3A_921] : memref<4096x200x32xf32, #tpu.memory_space<hbm>> -> memref<1x200x32xf32, #tpu.memory_space<hbm>>
      %dma_start3A_923 = tpu.memref_squeeze %dma_start3A_922 : memref<1x200x32xf32, #tpu.memory_space<hbm>> -> memref<200x32xf32, #tpu.memory_space<hbm>>
      %dma_start3A_924 = tpu.memref_slice %arg8[%dma_start3A_915] : memref<8x!tpu.dma_semaphore, #tpu.memory_space<semaphore_mem>> -> memref<1x!tpu.dma_semaphore, #tpu.memory_space<semaphore_mem>>
      %dma_start3A_925 = tpu.memref_squeeze %dma_start3A_924 : memref<1x!tpu.dma_semaphore, #tpu.memory_space<semaphore_mem>> -> memref<!tpu.dma_semaphore, #tpu.memory_space<semaphore_mem>>
      %dma_start3A_926 = arith.constant 0 : i32
      %dma_start3A_927 = arith.constant 0 : i32
      %dma_start3A_928 = tpu.memref_slice %arg4[%add3A_913, %dma_start3A_926, %dma_start3A_927] : memref<4096x200x32xf32, #tpu.memory_space<hbm>> -> memref<1x200x32xf32, #tpu.memory_space<hbm>>
      %dma_start3A_929 = tpu.memref_squeeze %dma_start3A_928 : memref<1x200x32xf32, #tpu.memory_space<hbm>> -> memref<200x32xf32, #tpu.memory_space<hbm>>
      %dma_start3A_930 = arith.constant 0 : i32
      %dma_start3A_931 = arith.constant 0 : i32
      %dma_start3A_932 = tpu.memref_slice %arg6[%dma_start3A_914, %dma_start3A_930, %dma_start3A_931] : memref<8x200x32xf32, #tpu.memory_space<vmem>> -> memref<1x200x32xf32, #tpu.memory_space<vmem>>
      %dma_start3A_933 = tpu.memref_squeeze %dma_start3A_932 : memref<1x200x32xf32, #tpu.memory_space<vmem>> -> memref<200x32xf32, #tpu.memory_space<vmem>>
      tpu.enqueue_dma source(%dma_start3A_933 : memref<200x32xf32, #tpu.memory_space<vmem>>) target(%dma_start3A_929 : memref<200x32xf32, #tpu.memory_space<hbm>>) target_semaphore(%dma_start3A_925 : memref<!tpu.dma_semaphore, #tpu.memory_space<semaphore_mem>>)
      %add3A_934 = arith.addi %mul3A_2, %add3A_898 : i32
      %dma_wait3A_935 = arith.constant 4 : i32
      %dma_wait3A_936 = arith.constant 4 : i32
      %dma_wait3A_937 = arith.constant 0 : i32
      %dma_wait3A_938 = arith.constant 0 : i32
      %dma_wait3A_939 = tpu.memref_slice %arg6[%dma_wait3A_935, %dma_wait3A_937, %dma_wait3A_938] : memref<8x200x32xf32, #tpu.memory_space<vmem>> -> memref<1x200x32xf32, #tpu.memory_space<vmem>>
      %dma_wait3A_940 = tpu.memref_squeeze %dma_wait3A_939 : memref<1x200x32xf32, #tpu.memory_space<vmem>> -> memref<200x32xf32, #tpu.memory_space<vmem>>
      %dma_wait3A_941 = arith.constant 0 : i32
      %dma_wait3A_942 = arith.constant 0 : i32
      %dma_wait3A_943 = tpu.memref_slice %arg4[%add3A_934, %dma_wait3A_941, %dma_wait3A_942] : memref<4096x200x32xf32, #tpu.memory_space<hbm>> -> memref<1x200x32xf32, #tpu.memory_space<hbm>>
      %dma_wait3A_944 = tpu.memref_squeeze %dma_wait3A_943 : memref<1x200x32xf32, #tpu.memory_space<hbm>> -> memref<200x32xf32, #tpu.memory_space<hbm>>
      %dma_wait3A_945 = tpu.memref_slice %arg8[%dma_wait3A_936] : memref<8x!tpu.dma_semaphore, #tpu.memory_space<semaphore_mem>> -> memref<1x!tpu.dma_semaphore, #tpu.memory_space<semaphore_mem>>
      %dma_wait3A_946 = tpu.memref_squeeze %dma_wait3A_945 : memref<1x!tpu.dma_semaphore, #tpu.memory_space<semaphore_mem>> -> memref<!tpu.dma_semaphore, #tpu.memory_space<semaphore_mem>>
      %dma_wait3A_947 = arith.constant 0 : i32
      %dma_wait3A_948 = arith.constant 0 : i32
      %dma_wait3A_949 = tpu.memref_slice %arg4[%add3A_934, %dma_wait3A_947, %dma_wait3A_948] : memref<4096x200x32xf32, #tpu.memory_space<hbm>> -> memref<1x200x32xf32, #tpu.memory_space<hbm>>
      %dma_wait3A_950 = tpu.memref_squeeze %dma_wait3A_949 : memref<1x200x32xf32, #tpu.memory_space<hbm>> -> memref<200x32xf32, #tpu.memory_space<hbm>>
      %dma_wait3A_951 = arith.constant 0 : i32
      %dma_wait3A_952 = arith.constant 0 : i32
      %dma_wait3A_953 = tpu.memref_slice %arg6[%dma_wait3A_935, %dma_wait3A_951, %dma_wait3A_952] : memref<8x200x32xf32, #tpu.memory_space<vmem>> -> memref<1x200x32xf32, #tpu.memory_space<vmem>>
      %dma_wait3A_954 = tpu.memref_squeeze %dma_wait3A_953 : memref<1x200x32xf32, #tpu.memory_space<vmem>> -> memref<200x32xf32, #tpu.memory_space<vmem>>
      tpu.wait_dma2 semaphore(%dma_wait3A_946 : memref<!tpu.dma_semaphore, #tpu.memory_space<semaphore_mem>>) src(%dma_wait3A_954 : memref<200x32xf32, #tpu.memory_space<vmem>>) dst(%dma_wait3A_950 : memref<200x32xf32, #tpu.memory_space<hbm>>)
      %add3A_955 = arith.constant 8 : i32
      %add3A_956 = arith.addi %add3A_898, %add3A_955 : i32
      %dma_start3A_957 = arith.constant 4 : i32
      %dma_start3A_958 = arith.constant 4 : i32
      %dma_start3A_959 = arith.constant 0 : i32
      %dma_start3A_960 = arith.constant 0 : i32
      %dma_start3A_961 = tpu.memref_slice %arg6[%dma_start3A_957, %dma_start3A_959, %dma_start3A_960] : memref<8x200x32xf32, #tpu.memory_space<vmem>> -> memref<1x200x32xf32, #tpu.memory_space<vmem>>
      %dma_start3A_962 = tpu.memref_squeeze %dma_start3A_961 : memref<1x200x32xf32, #tpu.memory_space<vmem>> -> memref<200x32xf32, #tpu.memory_space<vmem>>
      %dma_start3A_963 = arith.constant 0 : i32
      %dma_start3A_964 = tpu.memref_slice %arg5[%add3A_956, %dma_start3A_963] : memref<128x200xi32, #tpu.memory_space<vmem>> -> memref<1x200xi32, #tpu.memory_space<vmem>>
      %dma_start3A_965 = tpu.memref_squeeze %dma_start3A_964 : memref<1x200xi32, #tpu.memory_space<vmem>> -> memref<200xi32, #tpu.memory_space<vmem>>
      %dma_start3A_966 = arith.constant 0 : i32
      %dma_start3A_967 = arith.constant 0 : i32
      %dma_start3A_968 = tpu.memref_slice %arg3[%dma_start3A_966, %dma_start3A_967] : memref<1000000x32xf32, #tpu.memory_space<hbm>> -> memref<1000000x32xf32, #tpu.memory_space<hbm>>
      %dma_start3A_969 = tpu.memref_slice %arg7[%dma_start3A_958] : memref<8x!tpu.dma_semaphore, #tpu.memory_space<semaphore_mem>> -> memref<1x!tpu.dma_semaphore, #tpu.memory_space<semaphore_mem>>
      %dma_start3A_970 = tpu.memref_squeeze %dma_start3A_969 : memref<1x!tpu.dma_semaphore, #tpu.memory_space<semaphore_mem>> -> memref<!tpu.dma_semaphore, #tpu.memory_space<semaphore_mem>>
      tpu.enqueue_indirect_dma source(%dma_start3A_968 : memref<1000000x32xf32, #tpu.memory_space<hbm>>) target(%dma_start3A_962 : memref<200x32xf32, #tpu.memory_space<vmem>>) offsets(%dma_start3A_965 : memref<200xi32, #tpu.memory_space<vmem>>) semaphore(%dma_start3A_970 : memref<!tpu.dma_semaphore, #tpu.memory_space<semaphore_mem>>)
      %add3A_971 = arith.constant 5 : i32
      %add3A_972 = arith.addi %mul3A_600, %add3A_971 : i32
      %dma_wait3A_973 = arith.constant 5 : i32
      %dma_wait3A_974 = arith.constant 5 : i32
      %dma_wait3A_975 = arith.constant 0 : i32
      %dma_wait3A_976 = arith.constant 0 : i32
      %dma_wait3A_977 = tpu.memref_slice %arg6[%dma_wait3A_973, %dma_wait3A_975, %dma_wait3A_976] : memref<8x200x32xf32, #tpu.memory_space<vmem>> -> memref<1x200x32xf32, #tpu.memory_space<vmem>>
      %dma_wait3A_978 = tpu.memref_squeeze %dma_wait3A_977 : memref<1x200x32xf32, #tpu.memory_space<vmem>> -> memref<200x32xf32, #tpu.memory_space<vmem>>
      %dma_wait3A_979 = arith.constant 0 : i32
      %dma_wait3A_980 = tpu.memref_slice %arg5[%add3A_972, %dma_wait3A_979] : memref<128x200xi32, #tpu.memory_space<vmem>> -> memref<1x200xi32, #tpu.memory_space<vmem>>
      %dma_wait3A_981 = tpu.memref_squeeze %dma_wait3A_980 : memref<1x200xi32, #tpu.memory_space<vmem>> -> memref<200xi32, #tpu.memory_space<vmem>>
      %dma_wait3A_982 = arith.constant 0 : i32
      %dma_wait3A_983 = arith.constant 0 : i32
      %dma_wait3A_984 = tpu.memref_slice %arg3[%dma_wait3A_982, %dma_wait3A_983] : memref<1000000x32xf32, #tpu.memory_space<hbm>> -> memref<1000000x32xf32, #tpu.memory_space<hbm>>
      %dma_wait3A_985 = tpu.memref_slice %arg7[%dma_wait3A_974] : memref<8x!tpu.dma_semaphore, #tpu.memory_space<semaphore_mem>> -> memref<1x!tpu.dma_semaphore, #tpu.memory_space<semaphore_mem>>
      %dma_wait3A_986 = tpu.memref_squeeze %dma_wait3A_985 : memref<1x!tpu.dma_semaphore, #tpu.memory_space<semaphore_mem>> -> memref<!tpu.dma_semaphore, #tpu.memory_space<semaphore_mem>>
      tpu.wait_indirect_dma semaphore(%dma_wait3A_986 : memref<!tpu.dma_semaphore, #tpu.memory_space<semaphore_mem>>) src(%dma_wait3A_984 : memref<1000000x32xf32, #tpu.memory_space<hbm>>) dst(%dma_wait3A_978 : memref<200x32xf32, #tpu.memory_space<vmem>>)
      %add3A_987 = arith.addi %mul3A_2, %add3A_972 : i32
      %dma_start3A_988 = arith.constant 5 : i32
      %dma_start3A_989 = arith.constant 5 : i32
      %dma_start3A_990 = arith.constant 0 : i32
      %dma_start3A_991 = arith.constant 0 : i32
      %dma_start3A_992 = tpu.memref_slice %arg6[%dma_start3A_988, %dma_start3A_990, %dma_start3A_991] : memref<8x200x32xf32, #tpu.memory_space<vmem>> -> memref<1x200x32xf32, #tpu.memory_space<vmem>>
      %dma_start3A_993 = tpu.memref_squeeze %dma_start3A_992 : memref<1x200x32xf32, #tpu.memory_space<vmem>> -> memref<200x32xf32, #tpu.memory_space<vmem>>
      %dma_start3A_994 = arith.constant 0 : i32
      %dma_start3A_995 = arith.constant 0 : i32
      %dma_start3A_996 = tpu.memref_slice %arg4[%add3A_987, %dma_start3A_994, %dma_start3A_995] : memref<4096x200x32xf32, #tpu.memory_space<hbm>> -> memref<1x200x32xf32, #tpu.memory_space<hbm>>
      %dma_start3A_997 = tpu.memref_squeeze %dma_start3A_996 : memref<1x200x32xf32, #tpu.memory_space<hbm>> -> memref<200x32xf32, #tpu.memory_space<hbm>>
      %dma_start3A_998 = tpu.memref_slice %arg8[%dma_start3A_989] : memref<8x!tpu.dma_semaphore, #tpu.memory_space<semaphore_mem>> -> memref<1x!tpu.dma_semaphore, #tpu.memory_space<semaphore_mem>>
      %dma_start3A_999 = tpu.memref_squeeze %dma_start3A_998 : memref<1x!tpu.dma_semaphore, #tpu.memory_space<semaphore_mem>> -> memref<!tpu.dma_semaphore, #tpu.memory_space<semaphore_mem>>
      %dma_start3A_1000 = arith.constant 0 : i32
      %dma_start3A_1001 = arith.constant 0 : i32
      %dma_start3A_1002 = tpu.memref_slice %arg4[%add3A_987, %dma_start3A_1000, %dma_start3A_1001] : memref<4096x200x32xf32, #tpu.memory_space<hbm>> -> memref<1x200x32xf32, #tpu.memory_space<hbm>>
      %dma_start3A_1003 = tpu.memref_squeeze %dma_start3A_1002 : memref<1x200x32xf32, #tpu.memory_space<hbm>> -> memref<200x32xf32, #tpu.memory_space<hbm>>
      %dma_start3A_1004 = arith.constant 0 : i32
      %dma_start3A_1005 = arith.constant 0 : i32
      %dma_start3A_1006 = tpu.memref_slice %arg6[%dma_start3A_988, %dma_start3A_1004, %dma_start3A_1005] : memref<8x200x32xf32, #tpu.memory_space<vmem>> -> memref<1x200x32xf32, #tpu.memory_space<vmem>>
      %dma_start3A_1007 = tpu.memref_squeeze %dma_start3A_1006 : memref<1x200x32xf32, #tpu.memory_space<vmem>> -> memref<200x32xf32, #tpu.memory_space<vmem>>
      tpu.enqueue_dma source(%dma_start3A_1007 : memref<200x32xf32, #tpu.memory_space<vmem>>) target(%dma_start3A_1003 : memref<200x32xf32, #tpu.memory_space<hbm>>) target_semaphore(%dma_start3A_999 : memref<!tpu.dma_semaphore, #tpu.memory_space<semaphore_mem>>)
      %add3A_1008 = arith.addi %mul3A_2, %add3A_972 : i32
      %dma_wait3A_1009 = arith.constant 5 : i32
      %dma_wait3A_1010 = arith.constant 5 : i32
      %dma_wait3A_1011 = arith.constant 0 : i32
      %dma_wait3A_1012 = arith.constant 0 : i32
      %dma_wait3A_1013 = tpu.memref_slice %arg6[%dma_wait3A_1009, %dma_wait3A_1011, %dma_wait3A_1012] : memref<8x200x32xf32, #tpu.memory_space<vmem>> -> memref<1x200x32xf32, #tpu.memory_space<vmem>>
      %dma_wait3A_1014 = tpu.memref_squeeze %dma_wait3A_1013 : memref<1x200x32xf32, #tpu.memory_space<vmem>> -> memref<200x32xf32, #tpu.memory_space<vmem>>
      %dma_wait3A_1015 = arith.constant 0 : i32
      %dma_wait3A_1016 = arith.constant 0 : i32
      %dma_wait3A_1017 = tpu.memref_slice %arg4[%add3A_1008, %dma_wait3A_1015, %dma_wait3A_1016] : memref<4096x200x32xf32, #tpu.memory_space<hbm>> -> memref<1x200x32xf32, #tpu.memory_space<hbm>>
      %dma_wait3A_1018 = tpu.memref_squeeze %dma_wait3A_1017 : memref<1x200x32xf32, #tpu.memory_space<hbm>> -> memref<200x32xf32, #tpu.memory_space<hbm>>
      %dma_wait3A_1019 = tpu.memref_slice %arg8[%dma_wait3A_1010] : memref<8x!tpu.dma_semaphore, #tpu.memory_space<semaphore_mem>> -> memref<1x!tpu.dma_semaphore, #tpu.memory_space<semaphore_mem>>
      %dma_wait3A_1020 = tpu.memref_squeeze %dma_wait3A_1019 : memref<1x!tpu.dma_semaphore, #tpu.memory_space<semaphore_mem>> -> memref<!tpu.dma_semaphore, #tpu.memory_space<semaphore_mem>>
      %dma_wait3A_1021 = arith.constant 0 : i32
      %dma_wait3A_1022 = arith.constant 0 : i32
      %dma_wait3A_1023 = tpu.memref_slice %arg4[%add3A_1008, %dma_wait3A_1021, %dma_wait3A_1022] : memref<4096x200x32xf32, #tpu.memory_space<hbm>> -> memref<1x200x32xf32, #tpu.memory_space<hbm>>
      %dma_wait3A_1024 = tpu.memref_squeeze %dma_wait3A_1023 : memref<1x200x32xf32, #tpu.memory_space<hbm>> -> memref<200x32xf32, #tpu.memory_space<hbm>>
      %dma_wait3A_1025 = arith.constant 0 : i32
      %dma_wait3A_1026 = arith.constant 0 : i32
      %dma_wait3A_1027 = tpu.memref_slice %arg6[%dma_wait3A_1009, %dma_wait3A_1025, %dma_wait3A_1026] : memref<8x200x32xf32, #tpu.memory_space<vmem>> -> memref<1x200x32xf32, #tpu.memory_space<vmem>>
      %dma_wait3A_1028 = tpu.memref_squeeze %dma_wait3A_1027 : memref<1x200x32xf32, #tpu.memory_space<vmem>> -> memref<200x32xf32, #tpu.memory_space<vmem>>
      tpu.wait_dma2 semaphore(%dma_wait3A_1020 : memref<!tpu.dma_semaphore, #tpu.memory_space<semaphore_mem>>) src(%dma_wait3A_1028 : memref<200x32xf32, #tpu.memory_space<vmem>>) dst(%dma_wait3A_1024 : memref<200x32xf32, #tpu.memory_space<hbm>>)
      %add3A_1029 = arith.constant 8 : i32
      %add3A_1030 = arith.addi %add3A_972, %add3A_1029 : i32
      %dma_start3A_1031 = arith.constant 5 : i32
      %dma_start3A_1032 = arith.constant 5 : i32
      %dma_start3A_1033 = arith.constant 0 : i32
      %dma_start3A_1034 = arith.constant 0 : i32
      %dma_start3A_1035 = tpu.memref_slice %arg6[%dma_start3A_1031, %dma_start3A_1033, %dma_start3A_1034] : memref<8x200x32xf32, #tpu.memory_space<vmem>> -> memref<1x200x32xf32, #tpu.memory_space<vmem>>
      %dma_start3A_1036 = tpu.memref_squeeze %dma_start3A_1035 : memref<1x200x32xf32, #tpu.memory_space<vmem>> -> memref<200x32xf32, #tpu.memory_space<vmem>>
      %dma_start3A_1037 = arith.constant 0 : i32
      %dma_start3A_1038 = tpu.memref_slice %arg5[%add3A_1030, %dma_start3A_1037] : memref<128x200xi32, #tpu.memory_space<vmem>> -> memref<1x200xi32, #tpu.memory_space<vmem>>
      %dma_start3A_1039 = tpu.memref_squeeze %dma_start3A_1038 : memref<1x200xi32, #tpu.memory_space<vmem>> -> memref<200xi32, #tpu.memory_space<vmem>>
      %dma_start3A_1040 = arith.constant 0 : i32
      %dma_start3A_1041 = arith.constant 0 : i32
      %dma_start3A_1042 = tpu.memref_slice %arg3[%dma_start3A_1040, %dma_start3A_1041] : memref<1000000x32xf32, #tpu.memory_space<hbm>> -> memref<1000000x32xf32, #tpu.memory_space<hbm>>
      %dma_start3A_1043 = tpu.memref_slice %arg7[%dma_start3A_1032] : memref<8x!tpu.dma_semaphore, #tpu.memory_space<semaphore_mem>> -> memref<1x!tpu.dma_semaphore, #tpu.memory_space<semaphore_mem>>
      %dma_start3A_1044 = tpu.memref_squeeze %dma_start3A_1043 : memref<1x!tpu.dma_semaphore, #tpu.memory_space<semaphore_mem>> -> memref<!tpu.dma_semaphore, #tpu.memory_space<semaphore_mem>>
      tpu.enqueue_indirect_dma source(%dma_start3A_1042 : memref<1000000x32xf32, #tpu.memory_space<hbm>>) target(%dma_start3A_1036 : memref<200x32xf32, #tpu.memory_space<vmem>>) offsets(%dma_start3A_1039 : memref<200xi32, #tpu.memory_space<vmem>>) semaphore(%dma_start3A_1044 : memref<!tpu.dma_semaphore, #tpu.memory_space<semaphore_mem>>)
      %add3A_1045 = arith.constant 6 : i32
      %add3A_1046 = arith.addi %mul3A_600, %add3A_1045 : i32
      %dma_wait3A_1047 = arith.constant 6 : i32
      %dma_wait3A_1048 = arith.constant 6 : i32
      %dma_wait3A_1049 = arith.constant 0 : i32
      %dma_wait3A_1050 = arith.constant 0 : i32
      %dma_wait3A_1051 = tpu.memref_slice %arg6[%dma_wait3A_1047, %dma_wait3A_1049, %dma_wait3A_1050] : memref<8x200x32xf32, #tpu.memory_space<vmem>> -> memref<1x200x32xf32, #tpu.memory_space<vmem>>
      %dma_wait3A_1052 = tpu.memref_squeeze %dma_wait3A_1051 : memref<1x200x32xf32, #tpu.memory_space<vmem>> -> memref<200x32xf32, #tpu.memory_space<vmem>>
      %dma_wait3A_1053 = arith.constant 0 : i32
      %dma_wait3A_1054 = tpu.memref_slice %arg5[%add3A_1046, %dma_wait3A_1053] : memref<128x200xi32, #tpu.memory_space<vmem>> -> memref<1x200xi32, #tpu.memory_space<vmem>>
      %dma_wait3A_1055 = tpu.memref_squeeze %dma_wait3A_1054 : memref<1x200xi32, #tpu.memory_space<vmem>> -> memref<200xi32, #tpu.memory_space<vmem>>
      %dma_wait3A_1056 = arith.constant 0 : i32
      %dma_wait3A_1057 = arith.constant 0 : i32
      %dma_wait3A_1058 = tpu.memref_slice %arg3[%dma_wait3A_1056, %dma_wait3A_1057] : memref<1000000x32xf32, #tpu.memory_space<hbm>> -> memref<1000000x32xf32, #tpu.memory_space<hbm>>
      %dma_wait3A_1059 = tpu.memref_slice %arg7[%dma_wait3A_1048] : memref<8x!tpu.dma_semaphore, #tpu.memory_space<semaphore_mem>> -> memref<1x!tpu.dma_semaphore, #tpu.memory_space<semaphore_mem>>
      %dma_wait3A_1060 = tpu.memref_squeeze %dma_wait3A_1059 : memref<1x!tpu.dma_semaphore, #tpu.memory_space<semaphore_mem>> -> memref<!tpu.dma_semaphore, #tpu.memory_space<semaphore_mem>>
      tpu.wait_indirect_dma semaphore(%dma_wait3A_1060 : memref<!tpu.dma_semaphore, #tpu.memory_space<semaphore_mem>>) src(%dma_wait3A_1058 : memref<1000000x32xf32, #tpu.memory_space<hbm>>) dst(%dma_wait3A_1052 : memref<200x32xf32, #tpu.memory_space<vmem>>)
      %add3A_1061 = arith.addi %mul3A_2, %add3A_1046 : i32
      %dma_start3A_1062 = arith.constant 6 : i32
      %dma_start3A_1063 = arith.constant 6 : i32
      %dma_start3A_1064 = arith.constant 0 : i32
      %dma_start3A_1065 = arith.constant 0 : i32
      %dma_start3A_1066 = tpu.memref_slice %arg6[%dma_start3A_1062, %dma_start3A_1064, %dma_start3A_1065] : memref<8x200x32xf32, #tpu.memory_space<vmem>> -> memref<1x200x32xf32, #tpu.memory_space<vmem>>
      %dma_start3A_1067 = tpu.memref_squeeze %dma_start3A_1066 : memref<1x200x32xf32, #tpu.memory_space<vmem>> -> memref<200x32xf32, #tpu.memory_space<vmem>>
      %dma_start3A_1068 = arith.constant 0 : i32
      %dma_start3A_1069 = arith.constant 0 : i32
      %dma_start3A_1070 = tpu.memref_slice %arg4[%add3A_1061, %dma_start3A_1068, %dma_start3A_1069] : memref<4096x200x32xf32, #tpu.memory_space<hbm>> -> memref<1x200x32xf32, #tpu.memory_space<hbm>>
      %dma_start3A_1071 = tpu.memref_squeeze %dma_start3A_1070 : memref<1x200x32xf32, #tpu.memory_space<hbm>> -> memref<200x32xf32, #tpu.memory_space<hbm>>
      %dma_start3A_1072 = tpu.memref_slice %arg8[%dma_start3A_1063] : memref<8x!tpu.dma_semaphore, #tpu.memory_space<semaphore_mem>> -> memref<1x!tpu.dma_semaphore, #tpu.memory_space<semaphore_mem>>
      %dma_start3A_1073 = tpu.memref_squeeze %dma_start3A_1072 : memref<1x!tpu.dma_semaphore, #tpu.memory_space<semaphore_mem>> -> memref<!tpu.dma_semaphore, #tpu.memory_space<semaphore_mem>>
      %dma_start3A_1074 = arith.constant 0 : i32
      %dma_start3A_1075 = arith.constant 0 : i32
      %dma_start3A_1076 = tpu.memref_slice %arg4[%add3A_1061, %dma_start3A_1074, %dma_start3A_1075] : memref<4096x200x32xf32, #tpu.memory_space<hbm>> -> memref<1x200x32xf32, #tpu.memory_space<hbm>>
      %dma_start3A_1077 = tpu.memref_squeeze %dma_start3A_1076 : memref<1x200x32xf32, #tpu.memory_space<hbm>> -> memref<200x32xf32, #tpu.memory_space<hbm>>
      %dma_start3A_1078 = arith.constant 0 : i32
      %dma_start3A_1079 = arith.constant 0 : i32
      %dma_start3A_1080 = tpu.memref_slice %arg6[%dma_start3A_1062, %dma_start3A_1078, %dma_start3A_1079] : memref<8x200x32xf32, #tpu.memory_space<vmem>> -> memref<1x200x32xf32, #tpu.memory_space<vmem>>
      %dma_start3A_1081 = tpu.memref_squeeze %dma_start3A_1080 : memref<1x200x32xf32, #tpu.memory_space<vmem>> -> memref<200x32xf32, #tpu.memory_space<vmem>>
      tpu.enqueue_dma source(%dma_start3A_1081 : memref<200x32xf32, #tpu.memory_space<vmem>>) target(%dma_start3A_1077 : memref<200x32xf32, #tpu.memory_space<hbm>>) target_semaphore(%dma_start3A_1073 : memref<!tpu.dma_semaphore, #tpu.memory_space<semaphore_mem>>)
      %add3A_1082 = arith.addi %mul3A_2, %add3A_1046 : i32
      %dma_wait3A_1083 = arith.constant 6 : i32
      %dma_wait3A_1084 = arith.constant 6 : i32
      %dma_wait3A_1085 = arith.constant 0 : i32
      %dma_wait3A_1086 = arith.constant 0 : i32
      %dma_wait3A_1087 = tpu.memref_slice %arg6[%dma_wait3A_1083, %dma_wait3A_1085, %dma_wait3A_1086] : memref<8x200x32xf32, #tpu.memory_space<vmem>> -> memref<1x200x32xf32, #tpu.memory_space<vmem>>
      %dma_wait3A_1088 = tpu.memref_squeeze %dma_wait3A_1087 : memref<1x200x32xf32, #tpu.memory_space<vmem>> -> memref<200x32xf32, #tpu.memory_space<vmem>>
      %dma_wait3A_1089 = arith.constant 0 : i32
      %dma_wait3A_1090 = arith.constant 0 : i32
      %dma_wait3A_1091 = tpu.memref_slice %arg4[%add3A_1082, %dma_wait3A_1089, %dma_wait3A_1090] : memref<4096x200x32xf32, #tpu.memory_space<hbm>> -> memref<1x200x32xf32, #tpu.memory_space<hbm>>
      %dma_wait3A_1092 = tpu.memref_squeeze %dma_wait3A_1091 : memref<1x200x32xf32, #tpu.memory_space<hbm>> -> memref<200x32xf32, #tpu.memory_space<hbm>>
      %dma_wait3A_1093 = tpu.memref_slice %arg8[%dma_wait3A_1084] : memref<8x!tpu.dma_semaphore, #tpu.memory_space<semaphore_mem>> -> memref<1x!tpu.dma_semaphore, #tpu.memory_space<semaphore_mem>>
      %dma_wait3A_1094 = tpu.memref_squeeze %dma_wait3A_1093 : memref<1x!tpu.dma_semaphore, #tpu.memory_space<semaphore_mem>> -> memref<!tpu.dma_semaphore, #tpu.memory_space<semaphore_mem>>
      %dma_wait3A_1095 = arith.constant 0 : i32
      %dma_wait3A_1096 = arith.constant 0 : i32
      %dma_wait3A_1097 = tpu.memref_slice %arg4[%add3A_1082, %dma_wait3A_1095, %dma_wait3A_1096] : memref<4096x200x32xf32, #tpu.memory_space<hbm>> -> memref<1x200x32xf32, #tpu.memory_space<hbm>>
      %dma_wait3A_1098 = tpu.memref_squeeze %dma_wait3A_1097 : memref<1x200x32xf32, #tpu.memory_space<hbm>> -> memref<200x32xf32, #tpu.memory_space<hbm>>
      %dma_wait3A_1099 = arith.constant 0 : i32
      %dma_wait3A_1100 = arith.constant 0 : i32
      %dma_wait3A_1101 = tpu.memref_slice %arg6[%dma_wait3A_1083, %dma_wait3A_1099, %dma_wait3A_1100] : memref<8x200x32xf32, #tpu.memory_space<vmem>> -> memref<1x200x32xf32, #tpu.memory_space<vmem>>
      %dma_wait3A_1102 = tpu.memref_squeeze %dma_wait3A_1101 : memref<1x200x32xf32, #tpu.memory_space<vmem>> -> memref<200x32xf32, #tpu.memory_space<vmem>>
      tpu.wait_dma2 semaphore(%dma_wait3A_1094 : memref<!tpu.dma_semaphore, #tpu.memory_space<semaphore_mem>>) src(%dma_wait3A_1102 : memref<200x32xf32, #tpu.memory_space<vmem>>) dst(%dma_wait3A_1098 : memref<200x32xf32, #tpu.memory_space<hbm>>)
      %add3A_1103 = arith.constant 8 : i32
      %add3A_1104 = arith.addi %add3A_1046, %add3A_1103 : i32
      %dma_start3A_1105 = arith.constant 6 : i32
      %dma_start3A_1106 = arith.constant 6 : i32
      %dma_start3A_1107 = arith.constant 0 : i32
      %dma_start3A_1108 = arith.constant 0 : i32
      %dma_start3A_1109 = tpu.memref_slice %arg6[%dma_start3A_1105, %dma_start3A_1107, %dma_start3A_1108] : memref<8x200x32xf32, #tpu.memory_space<vmem>> -> memref<1x200x32xf32, #tpu.memory_space<vmem>>
      %dma_start3A_1110 = tpu.memref_squeeze %dma_start3A_1109 : memref<1x200x32xf32, #tpu.memory_space<vmem>> -> memref<200x32xf32, #tpu.memory_space<vmem>>
      %dma_start3A_1111 = arith.constant 0 : i32
      %dma_start3A_1112 = tpu.memref_slice %arg5[%add3A_1104, %dma_start3A_1111] : memref<128x200xi32, #tpu.memory_space<vmem>> -> memref<1x200xi32, #tpu.memory_space<vmem>>
      %dma_start3A_1113 = tpu.memref_squeeze %dma_start3A_1112 : memref<1x200xi32, #tpu.memory_space<vmem>> -> memref<200xi32, #tpu.memory_space<vmem>>
      %dma_start3A_1114 = arith.constant 0 : i32
      %dma_start3A_1115 = arith.constant 0 : i32
      %dma_start3A_1116 = tpu.memref_slice %arg3[%dma_start3A_1114, %dma_start3A_1115] : memref<1000000x32xf32, #tpu.memory_space<hbm>> -> memref<1000000x32xf32, #tpu.memory_space<hbm>>
      %dma_start3A_1117 = tpu.memref_slice %arg7[%dma_start3A_1106] : memref<8x!tpu.dma_semaphore, #tpu.memory_space<semaphore_mem>> -> memref<1x!tpu.dma_semaphore, #tpu.memory_space<semaphore_mem>>
      %dma_start3A_1118 = tpu.memref_squeeze %dma_start3A_1117 : memref<1x!tpu.dma_semaphore, #tpu.memory_space<semaphore_mem>> -> memref<!tpu.dma_semaphore, #tpu.memory_space<semaphore_mem>>
      tpu.enqueue_indirect_dma source(%dma_start3A_1116 : memref<1000000x32xf32, #tpu.memory_space<hbm>>) target(%dma_start3A_1110 : memref<200x32xf32, #tpu.memory_space<vmem>>) offsets(%dma_start3A_1113 : memref<200xi32, #tpu.memory_space<vmem>>) semaphore(%dma_start3A_1118 : memref<!tpu.dma_semaphore, #tpu.memory_space<semaphore_mem>>)
      %add3A_1119 = arith.constant 7 : i32
      %add3A_1120 = arith.addi %mul3A_600, %add3A_1119 : i32
      %dma_wait3A_1121 = arith.constant 7 : i32
      %dma_wait3A_1122 = arith.constant 7 : i32
      %dma_wait3A_1123 = arith.constant 0 : i32
      %dma_wait3A_1124 = arith.constant 0 : i32
      %dma_wait3A_1125 = tpu.memref_slice %arg6[%dma_wait3A_1121, %dma_wait3A_1123, %dma_wait3A_1124] : memref<8x200x32xf32, #tpu.memory_space<vmem>> -> memref<1x200x32xf32, #tpu.memory_space<vmem>>
      %dma_wait3A_1126 = tpu.memref_squeeze %dma_wait3A_1125 : memref<1x200x32xf32, #tpu.memory_space<vmem>> -> memref<200x32xf32, #tpu.memory_space<vmem>>
      %dma_wait3A_1127 = arith.constant 0 : i32
      %dma_wait3A_1128 = tpu.memref_slice %arg5[%add3A_1120, %dma_wait3A_1127] : memref<128x200xi32, #tpu.memory_space<vmem>> -> memref<1x200xi32, #tpu.memory_space<vmem>>
      %dma_wait3A_1129 = tpu.memref_squeeze %dma_wait3A_1128 : memref<1x200xi32, #tpu.memory_space<vmem>> -> memref<200xi32, #tpu.memory_space<vmem>>
      %dma_wait3A_1130 = arith.constant 0 : i32
      %dma_wait3A_1131 = arith.constant 0 : i32
      %dma_wait3A_1132 = tpu.memref_slice %arg3[%dma_wait3A_1130, %dma_wait3A_1131] : memref<1000000x32xf32, #tpu.memory_space<hbm>> -> memref<1000000x32xf32, #tpu.memory_space<hbm>>
      %dma_wait3A_1133 = tpu.memref_slice %arg7[%dma_wait3A_1122] : memref<8x!tpu.dma_semaphore, #tpu.memory_space<semaphore_mem>> -> memref<1x!tpu.dma_semaphore, #tpu.memory_space<semaphore_mem>>
      %dma_wait3A_1134 = tpu.memref_squeeze %dma_wait3A_1133 : memref<1x!tpu.dma_semaphore, #tpu.memory_space<semaphore_mem>> -> memref<!tpu.dma_semaphore, #tpu.memory_space<semaphore_mem>>
      tpu.wait_indirect_dma semaphore(%dma_wait3A_1134 : memref<!tpu.dma_semaphore, #tpu.memory_space<semaphore_mem>>) src(%dma_wait3A_1132 : memref<1000000x32xf32, #tpu.memory_space<hbm>>) dst(%dma_wait3A_1126 : memref<200x32xf32, #tpu.memory_space<vmem>>)
      %add3A_1135 = arith.addi %mul3A_2, %add3A_1120 : i32
      %dma_start3A_1136 = arith.constant 7 : i32
      %dma_start3A_1137 = arith.constant 7 : i32
      %dma_start3A_1138 = arith.constant 0 : i32
      %dma_start3A_1139 = arith.constant 0 : i32
      %dma_start3A_1140 = tpu.memref_slice %arg6[%dma_start3A_1136, %dma_start3A_1138, %dma_start3A_1139] : memref<8x200x32xf32, #tpu.memory_space<vmem>> -> memref<1x200x32xf32, #tpu.memory_space<vmem>>
      %dma_start3A_1141 = tpu.memref_squeeze %dma_start3A_1140 : memref<1x200x32xf32, #tpu.memory_space<vmem>> -> memref<200x32xf32, #tpu.memory_space<vmem>>
      %dma_start3A_1142 = arith.constant 0 : i32
      %dma_start3A_1143 = arith.constant 0 : i32
      %dma_start3A_1144 = tpu.memref_slice %arg4[%add3A_1135, %dma_start3A_1142, %dma_start3A_1143] : memref<4096x200x32xf32, #tpu.memory_space<hbm>> -> memref<1x200x32xf32, #tpu.memory_space<hbm>>
      %dma_start3A_1145 = tpu.memref_squeeze %dma_start3A_1144 : memref<1x200x32xf32, #tpu.memory_space<hbm>> -> memref<200x32xf32, #tpu.memory_space<hbm>>
      %dma_start3A_1146 = tpu.memref_slice %arg8[%dma_start3A_1137] : memref<8x!tpu.dma_semaphore, #tpu.memory_space<semaphore_mem>> -> memref<1x!tpu.dma_semaphore, #tpu.memory_space<semaphore_mem>>
      %dma_start3A_1147 = tpu.memref_squeeze %dma_start3A_1146 : memref<1x!tpu.dma_semaphore, #tpu.memory_space<semaphore_mem>> -> memref<!tpu.dma_semaphore, #tpu.memory_space<semaphore_mem>>
      %dma_start3A_1148 = arith.constant 0 : i32
      %dma_start3A_1149 = arith.constant 0 : i32
      %dma_start3A_1150 = tpu.memref_slice %arg4[%add3A_1135, %dma_start3A_1148, %dma_start3A_1149] : memref<4096x200x32xf32, #tpu.memory_space<hbm>> -> memref<1x200x32xf32, #tpu.memory_space<hbm>>
      %dma_start3A_1151 = tpu.memref_squeeze %dma_start3A_1150 : memref<1x200x32xf32, #tpu.memory_space<hbm>> -> memref<200x32xf32, #tpu.memory_space<hbm>>
      %dma_start3A_1152 = arith.constant 0 : i32
      %dma_start3A_1153 = arith.constant 0 : i32
      %dma_start3A_1154 = tpu.memref_slice %arg6[%dma_start3A_1136, %dma_start3A_1152, %dma_start3A_1153] : memref<8x200x32xf32, #tpu.memory_space<vmem>> -> memref<1x200x32xf32, #tpu.memory_space<vmem>>
      %dma_start3A_1155 = tpu.memref_squeeze %dma_start3A_1154 : memref<1x200x32xf32, #tpu.memory_space<vmem>> -> memref<200x32xf32, #tpu.memory_space<vmem>>
      tpu.enqueue_dma source(%dma_start3A_1155 : memref<200x32xf32, #tpu.memory_space<vmem>>) target(%dma_start3A_1151 : memref<200x32xf32, #tpu.memory_space<hbm>>) target_semaphore(%dma_start3A_1147 : memref<!tpu.dma_semaphore, #tpu.memory_space<semaphore_mem>>)
      %add3A_1156 = arith.addi %mul3A_2, %add3A_1120 : i32
      %dma_wait3A_1157 = arith.constant 7 : i32
      %dma_wait3A_1158 = arith.constant 7 : i32
      %dma_wait3A_1159 = arith.constant 0 : i32
      %dma_wait3A_1160 = arith.constant 0 : i32
      %dma_wait3A_1161 = tpu.memref_slice %arg6[%dma_wait3A_1157, %dma_wait3A_1159, %dma_wait3A_1160] : memref<8x200x32xf32, #tpu.memory_space<vmem>> -> memref<1x200x32xf32, #tpu.memory_space<vmem>>
      %dma_wait3A_1162 = tpu.memref_squeeze %dma_wait3A_1161 : memref<1x200x32xf32, #tpu.memory_space<vmem>> -> memref<200x32xf32, #tpu.memory_space<vmem>>
      %dma_wait3A_1163 = arith.constant 0 : i32
      %dma_wait3A_1164 = arith.constant 0 : i32
      %dma_wait3A_1165 = tpu.memref_slice %arg4[%add3A_1156, %dma_wait3A_1163, %dma_wait3A_1164] : memref<4096x200x32xf32, #tpu.memory_space<hbm>> -> memref<1x200x32xf32, #tpu.memory_space<hbm>>
      %dma_wait3A_1166 = tpu.memref_squeeze %dma_wait3A_1165 : memref<1x200x32xf32, #tpu.memory_space<hbm>> -> memref<200x32xf32, #tpu.memory_space<hbm>>
      %dma_wait3A_1167 = tpu.memref_slice %arg8[%dma_wait3A_1158] : memref<8x!tpu.dma_semaphore, #tpu.memory_space<semaphore_mem>> -> memref<1x!tpu.dma_semaphore, #tpu.memory_space<semaphore_mem>>
      %dma_wait3A_1168 = tpu.memref_squeeze %dma_wait3A_1167 : memref<1x!tpu.dma_semaphore, #tpu.memory_space<semaphore_mem>> -> memref<!tpu.dma_semaphore, #tpu.memory_space<semaphore_mem>>
      %dma_wait3A_1169 = arith.constant 0 : i32
      %dma_wait3A_1170 = arith.constant 0 : i32
      %dma_wait3A_1171 = tpu.memref_slice %arg4[%add3A_1156, %dma_wait3A_1169, %dma_wait3A_1170] : memref<4096x200x32xf32, #tpu.memory_space<hbm>> -> memref<1x200x32xf32, #tpu.memory_space<hbm>>
      %dma_wait3A_1172 = tpu.memref_squeeze %dma_wait3A_1171 : memref<1x200x32xf32, #tpu.memory_space<hbm>> -> memref<200x32xf32, #tpu.memory_space<hbm>>
      %dma_wait3A_1173 = arith.constant 0 : i32
      %dma_wait3A_1174 = arith.constant 0 : i32
      %dma_wait3A_1175 = tpu.memref_slice %arg6[%dma_wait3A_1157, %dma_wait3A_1173, %dma_wait3A_1174] : memref<8x200x32xf32, #tpu.memory_space<vmem>> -> memref<1x200x32xf32, #tpu.memory_space<vmem>>
      %dma_wait3A_1176 = tpu.memref_squeeze %dma_wait3A_1175 : memref<1x200x32xf32, #tpu.memory_space<vmem>> -> memref<200x32xf32, #tpu.memory_space<vmem>>
      tpu.wait_dma2 semaphore(%dma_wait3A_1168 : memref<!tpu.dma_semaphore, #tpu.memory_space<semaphore_mem>>) src(%dma_wait3A_1176 : memref<200x32xf32, #tpu.memory_space<vmem>>) dst(%dma_wait3A_1172 : memref<200x32xf32, #tpu.memory_space<hbm>>)
      %add3A_1177 = arith.constant 8 : i32
      %add3A_1178 = arith.addi %add3A_1120, %add3A_1177 : i32
      %dma_start3A_1179 = arith.constant 7 : i32
      %dma_start3A_1180 = arith.constant 7 : i32
      %dma_start3A_1181 = arith.constant 0 : i32
      %dma_start3A_1182 = arith.constant 0 : i32
      %dma_start3A_1183 = tpu.memref_slice %arg6[%dma_start3A_1179, %dma_start3A_1181, %dma_start3A_1182] : memref<8x200x32xf32, #tpu.memory_space<vmem>> -> memref<1x200x32xf32, #tpu.memory_space<vmem>>
      %dma_start3A_1184 = tpu.memref_squeeze %dma_start3A_1183 : memref<1x200x32xf32, #tpu.memory_space<vmem>> -> memref<200x32xf32, #tpu.memory_space<vmem>>
      %dma_start3A_1185 = arith.constant 0 : i32
      %dma_start3A_1186 = tpu.memref_slice %arg5[%add3A_1178, %dma_start3A_1185] : memref<128x200xi32, #tpu.memory_space<vmem>> -> memref<1x200xi32, #tpu.memory_space<vmem>>
      %dma_start3A_1187 = tpu.memref_squeeze %dma_start3A_1186 : memref<1x200xi32, #tpu.memory_space<vmem>> -> memref<200xi32, #tpu.memory_space<vmem>>
      %dma_start3A_1188 = arith.constant 0 : i32
      %dma_start3A_1189 = arith.constant 0 : i32
      %dma_start3A_1190 = tpu.memref_slice %arg3[%dma_start3A_1188, %dma_start3A_1189] : memref<1000000x32xf32, #tpu.memory_space<hbm>> -> memref<1000000x32xf32, #tpu.memory_space<hbm>>
      %dma_start3A_1191 = tpu.memref_slice %arg7[%dma_start3A_1180] : memref<8x!tpu.dma_semaphore, #tpu.memory_space<semaphore_mem>> -> memref<1x!tpu.dma_semaphore, #tpu.memory_space<semaphore_mem>>
      %dma_start3A_1192 = tpu.memref_squeeze %dma_start3A_1191 : memref<1x!tpu.dma_semaphore, #tpu.memory_space<semaphore_mem>> -> memref<!tpu.dma_semaphore, #tpu.memory_space<semaphore_mem>>
      tpu.enqueue_indirect_dma source(%dma_start3A_1190 : memref<1000000x32xf32, #tpu.memory_space<hbm>>) target(%dma_start3A_1184 : memref<200x32xf32, #tpu.memory_space<vmem>>) offsets(%dma_start3A_1187 : memref<200xi32, #tpu.memory_space<vmem>>) semaphore(%dma_start3A_1192 : memref<!tpu.dma_semaphore, #tpu.memory_space<semaphore_mem>>)
    }
    %scan3A_126 = arith.constant 15 : i32
    %dma_wait3A = arith.constant 120 : i32
    %dma_wait3A_127 = arith.constant 0 : i32
    %dma_wait3A_128 = arith.constant 0 : i32
    %dma_wait3A_129 = arith.constant 0 : i32
    %dma_wait3A_130 = arith.constant 0 : i32
    %dma_wait3A_131 = tpu.memref_slice %arg6[%dma_wait3A_127, %dma_wait3A_129, %dma_wait3A_130] : memref<8x200x32xf32, #tpu.memory_space<vmem>> -> memref<1x200x32xf32, #tpu.memory_space<vmem>>
    %dma_wait3A_132 = tpu.memref_squeeze %dma_wait3A_131 : memref<1x200x32xf32, #tpu.memory_space<vmem>> -> memref<200x32xf32, #tpu.memory_space<vmem>>
    %dma_wait3A_133 = arith.constant 0 : i32
    %dma_wait3A_134 = tpu.memref_slice %arg5[%dma_wait3A, %dma_wait3A_133] : memref<128x200xi32, #tpu.memory_space<vmem>> -> memref<1x200xi32, #tpu.memory_space<vmem>>
    %dma_wait3A_135 = tpu.memref_squeeze %dma_wait3A_134 : memref<1x200xi32, #tpu.memory_space<vmem>> -> memref<200xi32, #tpu.memory_space<vmem>>
    %dma_wait3A_136 = arith.constant 0 : i32
    %dma_wait3A_137 = arith.constant 0 : i32
    %dma_wait3A_138 = tpu.memref_slice %arg3[%dma_wait3A_136, %dma_wait3A_137] : memref<1000000x32xf32, #tpu.memory_space<hbm>> -> memref<1000000x32xf32, #tpu.memory_space<hbm>>
    %dma_wait3A_139 = tpu.memref_slice %arg7[%dma_wait3A_128] : memref<8x!tpu.dma_semaphore, #tpu.memory_space<semaphore_mem>> -> memref<1x!tpu.dma_semaphore, #tpu.memory_space<semaphore_mem>>
    %dma_wait3A_140 = tpu.memref_squeeze %dma_wait3A_139 : memref<1x!tpu.dma_semaphore, #tpu.memory_space<semaphore_mem>> -> memref<!tpu.dma_semaphore, #tpu.memory_space<semaphore_mem>>
    tpu.wait_indirect_dma semaphore(%dma_wait3A_140 : memref<!tpu.dma_semaphore, #tpu.memory_space<semaphore_mem>>) src(%dma_wait3A_138 : memref<1000000x32xf32, #tpu.memory_space<hbm>>) dst(%dma_wait3A_132 : memref<200x32xf32, #tpu.memory_space<vmem>>)
    %add3A_141 = arith.constant 120 : i32
    %add3A_142 = arith.addi %mul3A_2, %add3A_141 : i32
    %dma_start3A_143 = arith.constant 0 : i32
    %dma_start3A_144 = arith.constant 0 : i32
    %dma_start3A_145 = arith.constant 0 : i32
    %dma_start3A_146 = arith.constant 0 : i32
    %dma_start3A_147 = tpu.memref_slice %arg6[%dma_start3A_143, %dma_start3A_145, %dma_start3A_146] : memref<8x200x32xf32, #tpu.memory_space<vmem>> -> memref<1x200x32xf32, #tpu.memory_space<vmem>>
    %dma_start3A_148 = tpu.memref_squeeze %dma_start3A_147 : memref<1x200x32xf32, #tpu.memory_space<vmem>> -> memref<200x32xf32, #tpu.memory_space<vmem>>
    %dma_start3A_149 = arith.constant 0 : i32
    %dma_start3A_150 = arith.constant 0 : i32
    %dma_start3A_151 = tpu.memref_slice %arg4[%add3A_142, %dma_start3A_149, %dma_start3A_150] : memref<4096x200x32xf32, #tpu.memory_space<hbm>> -> memref<1x200x32xf32, #tpu.memory_space<hbm>>
    %dma_start3A_152 = tpu.memref_squeeze %dma_start3A_151 : memref<1x200x32xf32, #tpu.memory_space<hbm>> -> memref<200x32xf32, #tpu.memory_space<hbm>>
    %dma_start3A_153 = tpu.memref_slice %arg8[%dma_start3A_144] : memref<8x!tpu.dma_semaphore, #tpu.memory_space<semaphore_mem>> -> memref<1x!tpu.dma_semaphore, #tpu.memory_space<semaphore_mem>>
    %dma_start3A_154 = tpu.memref_squeeze %dma_start3A_153 : memref<1x!tpu.dma_semaphore, #tpu.memory_space<semaphore_mem>> -> memref<!tpu.dma_semaphore, #tpu.memory_space<semaphore_mem>>
    %dma_start3A_155 = arith.constant 0 : i32
    %dma_start3A_156 = arith.constant 0 : i32
    %dma_start3A_157 = tpu.memref_slice %arg4[%add3A_142, %dma_start3A_155, %dma_start3A_156] : memref<4096x200x32xf32, #tpu.memory_space<hbm>> -> memref<1x200x32xf32, #tpu.memory_space<hbm>>
    %dma_start3A_158 = tpu.memref_squeeze %dma_start3A_157 : memref<1x200x32xf32, #tpu.memory_space<hbm>> -> memref<200x32xf32, #tpu.memory_space<hbm>>
    %dma_start3A_159 = arith.constant 0 : i32
    %dma_start3A_160 = arith.constant 0 : i32
    %dma_start3A_161 = tpu.memref_slice %arg6[%dma_start3A_143, %dma_start3A_159, %dma_start3A_160] : memref<8x200x32xf32, #tpu.memory_space<vmem>> -> memref<1x200x32xf32, #tpu.memory_space<vmem>>
    %dma_start3A_162 = tpu.memref_squeeze %dma_start3A_161 : memref<1x200x32xf32, #tpu.memory_space<vmem>> -> memref<200x32xf32, #tpu.memory_space<vmem>>
    tpu.enqueue_dma source(%dma_start3A_162 : memref<200x32xf32, #tpu.memory_space<vmem>>) target(%dma_start3A_158 : memref<200x32xf32, #tpu.memory_space<hbm>>) target_semaphore(%dma_start3A_154 : memref<!tpu.dma_semaphore, #tpu.memory_space<semaphore_mem>>)
    %dma_wait3A_163 = arith.constant 121 : i32
    %dma_wait3A_164 = arith.constant 1 : i32
    %dma_wait3A_165 = arith.constant 1 : i32
    %dma_wait3A_166 = arith.constant 0 : i32
    %dma_wait3A_167 = arith.constant 0 : i32
    %dma_wait3A_168 = tpu.memref_slice %arg6[%dma_wait3A_164, %dma_wait3A_166, %dma_wait3A_167] : memref<8x200x32xf32, #tpu.memory_space<vmem>> -> memref<1x200x32xf32, #tpu.memory_space<vmem>>
    %dma_wait3A_169 = tpu.memref_squeeze %dma_wait3A_168 : memref<1x200x32xf32, #tpu.memory_space<vmem>> -> memref<200x32xf32, #tpu.memory_space<vmem>>
    %dma_wait3A_170 = arith.constant 0 : i32
    %dma_wait3A_171 = tpu.memref_slice %arg5[%dma_wait3A_163, %dma_wait3A_170] : memref<128x200xi32, #tpu.memory_space<vmem>> -> memref<1x200xi32, #tpu.memory_space<vmem>>
    %dma_wait3A_172 = tpu.memref_squeeze %dma_wait3A_171 : memref<1x200xi32, #tpu.memory_space<vmem>> -> memref<200xi32, #tpu.memory_space<vmem>>
    %dma_wait3A_173 = arith.constant 0 : i32
    %dma_wait3A_174 = arith.constant 0 : i32
    %dma_wait3A_175 = tpu.memref_slice %arg3[%dma_wait3A_173, %dma_wait3A_174] : memref<1000000x32xf32, #tpu.memory_space<hbm>> -> memref<1000000x32xf32, #tpu.memory_space<hbm>>
    %dma_wait3A_176 = tpu.memref_slice %arg7[%dma_wait3A_165] : memref<8x!tpu.dma_semaphore, #tpu.memory_space<semaphore_mem>> -> memref<1x!tpu.dma_semaphore, #tpu.memory_space<semaphore_mem>>
    %dma_wait3A_177 = tpu.memref_squeeze %dma_wait3A_176 : memref<1x!tpu.dma_semaphore, #tpu.memory_space<semaphore_mem>> -> memref<!tpu.dma_semaphore, #tpu.memory_space<semaphore_mem>>
    tpu.wait_indirect_dma semaphore(%dma_wait3A_177 : memref<!tpu.dma_semaphore, #tpu.memory_space<semaphore_mem>>) src(%dma_wait3A_175 : memref<1000000x32xf32, #tpu.memory_space<hbm>>) dst(%dma_wait3A_169 : memref<200x32xf32, #tpu.memory_space<vmem>>)
    %add3A_178 = arith.constant 121 : i32
    %add3A_179 = arith.addi %mul3A_2, %add3A_178 : i32
    %dma_start3A_180 = arith.constant 1 : i32
    %dma_start3A_181 = arith.constant 1 : i32
    %dma_start3A_182 = arith.constant 0 : i32
    %dma_start3A_183 = arith.constant 0 : i32
    %dma_start3A_184 = tpu.memref_slice %arg6[%dma_start3A_180, %dma_start3A_182, %dma_start3A_183] : memref<8x200x32xf32, #tpu.memory_space<vmem>> -> memref<1x200x32xf32, #tpu.memory_space<vmem>>
    %dma_start3A_185 = tpu.memref_squeeze %dma_start3A_184 : memref<1x200x32xf32, #tpu.memory_space<vmem>> -> memref<200x32xf32, #tpu.memory_space<vmem>>
    %dma_start3A_186 = arith.constant 0 : i32
    %dma_start3A_187 = arith.constant 0 : i32
    %dma_start3A_188 = tpu.memref_slice %arg4[%add3A_179, %dma_start3A_186, %dma_start3A_187] : memref<4096x200x32xf32, #tpu.memory_space<hbm>> -> memref<1x200x32xf32, #tpu.memory_space<hbm>>
    %dma_start3A_189 = tpu.memref_squeeze %dma_start3A_188 : memref<1x200x32xf32, #tpu.memory_space<hbm>> -> memref<200x32xf32, #tpu.memory_space<hbm>>
    %dma_start3A_190 = tpu.memref_slice %arg8[%dma_start3A_181] : memref<8x!tpu.dma_semaphore, #tpu.memory_space<semaphore_mem>> -> memref<1x!tpu.dma_semaphore, #tpu.memory_space<semaphore_mem>>
    %dma_start3A_191 = tpu.memref_squeeze %dma_start3A_190 : memref<1x!tpu.dma_semaphore, #tpu.memory_space<semaphore_mem>> -> memref<!tpu.dma_semaphore, #tpu.memory_space<semaphore_mem>>
    %dma_start3A_192 = arith.constant 0 : i32
    %dma_start3A_193 = arith.constant 0 : i32
    %dma_start3A_194 = tpu.memref_slice %arg4[%add3A_179, %dma_start3A_192, %dma_start3A_193] : memref<4096x200x32xf32, #tpu.memory_space<hbm>> -> memref<1x200x32xf32, #tpu.memory_space<hbm>>
    %dma_start3A_195 = tpu.memref_squeeze %dma_start3A_194 : memref<1x200x32xf32, #tpu.memory_space<hbm>> -> memref<200x32xf32, #tpu.memory_space<hbm>>
    %dma_start3A_196 = arith.constant 0 : i32
    %dma_start3A_197 = arith.constant 0 : i32
    %dma_start3A_198 = tpu.memref_slice %arg6[%dma_start3A_180, %dma_start3A_196, %dma_start3A_197] : memref<8x200x32xf32, #tpu.memory_space<vmem>> -> memref<1x200x32xf32, #tpu.memory_space<vmem>>
    %dma_start3A_199 = tpu.memref_squeeze %dma_start3A_198 : memref<1x200x32xf32, #tpu.memory_space<vmem>> -> memref<200x32xf32, #tpu.memory_space<vmem>>
    tpu.enqueue_dma source(%dma_start3A_199 : memref<200x32xf32, #tpu.memory_space<vmem>>) target(%dma_start3A_195 : memref<200x32xf32, #tpu.memory_space<hbm>>) target_semaphore(%dma_start3A_191 : memref<!tpu.dma_semaphore, #tpu.memory_space<semaphore_mem>>)
    %dma_wait3A_200 = arith.constant 122 : i32
    %dma_wait3A_201 = arith.constant 2 : i32
    %dma_wait3A_202 = arith.constant 2 : i32
    %dma_wait3A_203 = arith.constant 0 : i32
    %dma_wait3A_204 = arith.constant 0 : i32
    %dma_wait3A_205 = tpu.memref_slice %arg6[%dma_wait3A_201, %dma_wait3A_203, %dma_wait3A_204] : memref<8x200x32xf32, #tpu.memory_space<vmem>> -> memref<1x200x32xf32, #tpu.memory_space<vmem>>
    %dma_wait3A_206 = tpu.memref_squeeze %dma_wait3A_205 : memref<1x200x32xf32, #tpu.memory_space<vmem>> -> memref<200x32xf32, #tpu.memory_space<vmem>>
    %dma_wait3A_207 = arith.constant 0 : i32
    %dma_wait3A_208 = tpu.memref_slice %arg5[%dma_wait3A_200, %dma_wait3A_207] : memref<128x200xi32, #tpu.memory_space<vmem>> -> memref<1x200xi32, #tpu.memory_space<vmem>>
    %dma_wait3A_209 = tpu.memref_squeeze %dma_wait3A_208 : memref<1x200xi32, #tpu.memory_space<vmem>> -> memref<200xi32, #tpu.memory_space<vmem>>
    %dma_wait3A_210 = arith.constant 0 : i32
    %dma_wait3A_211 = arith.constant 0 : i32
    %dma_wait3A_212 = tpu.memref_slice %arg3[%dma_wait3A_210, %dma_wait3A_211] : memref<1000000x32xf32, #tpu.memory_space<hbm>> -> memref<1000000x32xf32, #tpu.memory_space<hbm>>
    %dma_wait3A_213 = tpu.memref_slice %arg7[%dma_wait3A_202] : memref<8x!tpu.dma_semaphore, #tpu.memory_space<semaphore_mem>> -> memref<1x!tpu.dma_semaphore, #tpu.memory_space<semaphore_mem>>
    %dma_wait3A_214 = tpu.memref_squeeze %dma_wait3A_213 : memref<1x!tpu.dma_semaphore, #tpu.memory_space<semaphore_mem>> -> memref<!tpu.dma_semaphore, #tpu.memory_space<semaphore_mem>>
    tpu.wait_indirect_dma semaphore(%dma_wait3A_214 : memref<!tpu.dma_semaphore, #tpu.memory_space<semaphore_mem>>) src(%dma_wait3A_212 : memref<1000000x32xf32, #tpu.memory_space<hbm>>) dst(%dma_wait3A_206 : memref<200x32xf32, #tpu.memory_space<vmem>>)
    %add3A_215 = arith.constant 122 : i32
    %add3A_216 = arith.addi %mul3A_2, %add3A_215 : i32
    %dma_start3A_217 = arith.constant 2 : i32
    %dma_start3A_218 = arith.constant 2 : i32
    %dma_start3A_219 = arith.constant 0 : i32
    %dma_start3A_220 = arith.constant 0 : i32
    %dma_start3A_221 = tpu.memref_slice %arg6[%dma_start3A_217, %dma_start3A_219, %dma_start3A_220] : memref<8x200x32xf32, #tpu.memory_space<vmem>> -> memref<1x200x32xf32, #tpu.memory_space<vmem>>
    %dma_start3A_222 = tpu.memref_squeeze %dma_start3A_221 : memref<1x200x32xf32, #tpu.memory_space<vmem>> -> memref<200x32xf32, #tpu.memory_space<vmem>>
    %dma_start3A_223 = arith.constant 0 : i32
    %dma_start3A_224 = arith.constant 0 : i32
    %dma_start3A_225 = tpu.memref_slice %arg4[%add3A_216, %dma_start3A_223, %dma_start3A_224] : memref<4096x200x32xf32, #tpu.memory_space<hbm>> -> memref<1x200x32xf32, #tpu.memory_space<hbm>>
    %dma_start3A_226 = tpu.memref_squeeze %dma_start3A_225 : memref<1x200x32xf32, #tpu.memory_space<hbm>> -> memref<200x32xf32, #tpu.memory_space<hbm>>
    %dma_start3A_227 = tpu.memref_slice %arg8[%dma_start3A_218] : memref<8x!tpu.dma_semaphore, #tpu.memory_space<semaphore_mem>> -> memref<1x!tpu.dma_semaphore, #tpu.memory_space<semaphore_mem>>
    %dma_start3A_228 = tpu.memref_squeeze %dma_start3A_227 : memref<1x!tpu.dma_semaphore, #tpu.memory_space<semaphore_mem>> -> memref<!tpu.dma_semaphore, #tpu.memory_space<semaphore_mem>>
    %dma_start3A_229 = arith.constant 0 : i32
    %dma_start3A_230 = arith.constant 0 : i32
    %dma_start3A_231 = tpu.memref_slice %arg4[%add3A_216, %dma_start3A_229, %dma_start3A_230] : memref<4096x200x32xf32, #tpu.memory_space<hbm>> -> memref<1x200x32xf32, #tpu.memory_space<hbm>>
    %dma_start3A_232 = tpu.memref_squeeze %dma_start3A_231 : memref<1x200x32xf32, #tpu.memory_space<hbm>> -> memref<200x32xf32, #tpu.memory_space<hbm>>
    %dma_start3A_233 = arith.constant 0 : i32
    %dma_start3A_234 = arith.constant 0 : i32
    %dma_start3A_235 = tpu.memref_slice %arg6[%dma_start3A_217, %dma_start3A_233, %dma_start3A_234] : memref<8x200x32xf32, #tpu.memory_space<vmem>> -> memref<1x200x32xf32, #tpu.memory_space<vmem>>
    %dma_start3A_236 = tpu.memref_squeeze %dma_start3A_235 : memref<1x200x32xf32, #tpu.memory_space<vmem>> -> memref<200x32xf32, #tpu.memory_space<vmem>>
    tpu.enqueue_dma source(%dma_start3A_236 : memref<200x32xf32, #tpu.memory_space<vmem>>) target(%dma_start3A_232 : memref<200x32xf32, #tpu.memory_space<hbm>>) target_semaphore(%dma_start3A_228 : memref<!tpu.dma_semaphore, #tpu.memory_space<semaphore_mem>>)
    %dma_wait3A_237 = arith.constant 123 : i32
    %dma_wait3A_238 = arith.constant 3 : i32
    %dma_wait3A_239 = arith.constant 3 : i32
    %dma_wait3A_240 = arith.constant 0 : i32
    %dma_wait3A_241 = arith.constant 0 : i32
    %dma_wait3A_242 = tpu.memref_slice %arg6[%dma_wait3A_238, %dma_wait3A_240, %dma_wait3A_241] : memref<8x200x32xf32, #tpu.memory_space<vmem>> -> memref<1x200x32xf32, #tpu.memory_space<vmem>>
    %dma_wait3A_243 = tpu.memref_squeeze %dma_wait3A_242 : memref<1x200x32xf32, #tpu.memory_space<vmem>> -> memref<200x32xf32, #tpu.memory_space<vmem>>
    %dma_wait3A_244 = arith.constant 0 : i32
    %dma_wait3A_245 = tpu.memref_slice %arg5[%dma_wait3A_237, %dma_wait3A_244] : memref<128x200xi32, #tpu.memory_space<vmem>> -> memref<1x200xi32, #tpu.memory_space<vmem>>
    %dma_wait3A_246 = tpu.memref_squeeze %dma_wait3A_245 : memref<1x200xi32, #tpu.memory_space<vmem>> -> memref<200xi32, #tpu.memory_space<vmem>>
    %dma_wait3A_247 = arith.constant 0 : i32
    %dma_wait3A_248 = arith.constant 0 : i32
    %dma_wait3A_249 = tpu.memref_slice %arg3[%dma_wait3A_247, %dma_wait3A_248] : memref<1000000x32xf32, #tpu.memory_space<hbm>> -> memref<1000000x32xf32, #tpu.memory_space<hbm>>
    %dma_wait3A_250 = tpu.memref_slice %arg7[%dma_wait3A_239] : memref<8x!tpu.dma_semaphore, #tpu.memory_space<semaphore_mem>> -> memref<1x!tpu.dma_semaphore, #tpu.memory_space<semaphore_mem>>
    %dma_wait3A_251 = tpu.memref_squeeze %dma_wait3A_250 : memref<1x!tpu.dma_semaphore, #tpu.memory_space<semaphore_mem>> -> memref<!tpu.dma_semaphore, #tpu.memory_space<semaphore_mem>>
    tpu.wait_indirect_dma semaphore(%dma_wait3A_251 : memref<!tpu.dma_semaphore, #tpu.memory_space<semaphore_mem>>) src(%dma_wait3A_249 : memref<1000000x32xf32, #tpu.memory_space<hbm>>) dst(%dma_wait3A_243 : memref<200x32xf32, #tpu.memory_space<vmem>>)
    %add3A_252 = arith.constant 123 : i32
    %add3A_253 = arith.addi %mul3A_2, %add3A_252 : i32
    %dma_start3A_254 = arith.constant 3 : i32
    %dma_start3A_255 = arith.constant 3 : i32
    %dma_start3A_256 = arith.constant 0 : i32
    %dma_start3A_257 = arith.constant 0 : i32
    %dma_start3A_258 = tpu.memref_slice %arg6[%dma_start3A_254, %dma_start3A_256, %dma_start3A_257] : memref<8x200x32xf32, #tpu.memory_space<vmem>> -> memref<1x200x32xf32, #tpu.memory_space<vmem>>
    %dma_start3A_259 = tpu.memref_squeeze %dma_start3A_258 : memref<1x200x32xf32, #tpu.memory_space<vmem>> -> memref<200x32xf32, #tpu.memory_space<vmem>>
    %dma_start3A_260 = arith.constant 0 : i32
    %dma_start3A_261 = arith.constant 0 : i32
    %dma_start3A_262 = tpu.memref_slice %arg4[%add3A_253, %dma_start3A_260, %dma_start3A_261] : memref<4096x200x32xf32, #tpu.memory_space<hbm>> -> memref<1x200x32xf32, #tpu.memory_space<hbm>>
    %dma_start3A_263 = tpu.memref_squeeze %dma_start3A_262 : memref<1x200x32xf32, #tpu.memory_space<hbm>> -> memref<200x32xf32, #tpu.memory_space<hbm>>
    %dma_start3A_264 = tpu.memref_slice %arg8[%dma_start3A_255] : memref<8x!tpu.dma_semaphore, #tpu.memory_space<semaphore_mem>> -> memref<1x!tpu.dma_semaphore, #tpu.memory_space<semaphore_mem>>
    %dma_start3A_265 = tpu.memref_squeeze %dma_start3A_264 : memref<1x!tpu.dma_semaphore, #tpu.memory_space<semaphore_mem>> -> memref<!tpu.dma_semaphore, #tpu.memory_space<semaphore_mem>>
    %dma_start3A_266 = arith.constant 0 : i32
    %dma_start3A_267 = arith.constant 0 : i32
    %dma_start3A_268 = tpu.memref_slice %arg4[%add3A_253, %dma_start3A_266, %dma_start3A_267] : memref<4096x200x32xf32, #tpu.memory_space<hbm>> -> memref<1x200x32xf32, #tpu.memory_space<hbm>>
    %dma_start3A_269 = tpu.memref_squeeze %dma_start3A_268 : memref<1x200x32xf32, #tpu.memory_space<hbm>> -> memref<200x32xf32, #tpu.memory_space<hbm>>
    %dma_start3A_270 = arith.constant 0 : i32
    %dma_start3A_271 = arith.constant 0 : i32
    %dma_start3A_272 = tpu.memref_slice %arg6[%dma_start3A_254, %dma_start3A_270, %dma_start3A_271] : memref<8x200x32xf32, #tpu.memory_space<vmem>> -> memref<1x200x32xf32, #tpu.memory_space<vmem>>
    %dma_start3A_273 = tpu.memref_squeeze %dma_start3A_272 : memref<1x200x32xf32, #tpu.memory_space<vmem>> -> memref<200x32xf32, #tpu.memory_space<vmem>>
    tpu.enqueue_dma source(%dma_start3A_273 : memref<200x32xf32, #tpu.memory_space<vmem>>) target(%dma_start3A_269 : memref<200x32xf32, #tpu.memory_space<hbm>>) target_semaphore(%dma_start3A_265 : memref<!tpu.dma_semaphore, #tpu.memory_space<semaphore_mem>>)
    %dma_wait3A_274 = arith.constant 124 : i32
    %dma_wait3A_275 = arith.constant 4 : i32
    %dma_wait3A_276 = arith.constant 4 : i32
    %dma_wait3A_277 = arith.constant 0 : i32
    %dma_wait3A_278 = arith.constant 0 : i32
    %dma_wait3A_279 = tpu.memref_slice %arg6[%dma_wait3A_275, %dma_wait3A_277, %dma_wait3A_278] : memref<8x200x32xf32, #tpu.memory_space<vmem>> -> memref<1x200x32xf32, #tpu.memory_space<vmem>>
    %dma_wait3A_280 = tpu.memref_squeeze %dma_wait3A_279 : memref<1x200x32xf32, #tpu.memory_space<vmem>> -> memref<200x32xf32, #tpu.memory_space<vmem>>
    %dma_wait3A_281 = arith.constant 0 : i32
    %dma_wait3A_282 = tpu.memref_slice %arg5[%dma_wait3A_274, %dma_wait3A_281] : memref<128x200xi32, #tpu.memory_space<vmem>> -> memref<1x200xi32, #tpu.memory_space<vmem>>
    %dma_wait3A_283 = tpu.memref_squeeze %dma_wait3A_282 : memref<1x200xi32, #tpu.memory_space<vmem>> -> memref<200xi32, #tpu.memory_space<vmem>>
    %dma_wait3A_284 = arith.constant 0 : i32
    %dma_wait3A_285 = arith.constant 0 : i32
    %dma_wait3A_286 = tpu.memref_slice %arg3[%dma_wait3A_284, %dma_wait3A_285] : memref<1000000x32xf32, #tpu.memory_space<hbm>> -> memref<1000000x32xf32, #tpu.memory_space<hbm>>
    %dma_wait3A_287 = tpu.memref_slice %arg7[%dma_wait3A_276] : memref<8x!tpu.dma_semaphore, #tpu.memory_space<semaphore_mem>> -> memref<1x!tpu.dma_semaphore, #tpu.memory_space<semaphore_mem>>
    %dma_wait3A_288 = tpu.memref_squeeze %dma_wait3A_287 : memref<1x!tpu.dma_semaphore, #tpu.memory_space<semaphore_mem>> -> memref<!tpu.dma_semaphore, #tpu.memory_space<semaphore_mem>>
    tpu.wait_indirect_dma semaphore(%dma_wait3A_288 : memref<!tpu.dma_semaphore, #tpu.memory_space<semaphore_mem>>) src(%dma_wait3A_286 : memref<1000000x32xf32, #tpu.memory_space<hbm>>) dst(%dma_wait3A_280 : memref<200x32xf32, #tpu.memory_space<vmem>>)
    %add3A_289 = arith.constant 124 : i32
    %add3A_290 = arith.addi %mul3A_2, %add3A_289 : i32
    %dma_start3A_291 = arith.constant 4 : i32
    %dma_start3A_292 = arith.constant 4 : i32
    %dma_start3A_293 = arith.constant 0 : i32
    %dma_start3A_294 = arith.constant 0 : i32
    %dma_start3A_295 = tpu.memref_slice %arg6[%dma_start3A_291, %dma_start3A_293, %dma_start3A_294] : memref<8x200x32xf32, #tpu.memory_space<vmem>> -> memref<1x200x32xf32, #tpu.memory_space<vmem>>
    %dma_start3A_296 = tpu.memref_squeeze %dma_start3A_295 : memref<1x200x32xf32, #tpu.memory_space<vmem>> -> memref<200x32xf32, #tpu.memory_space<vmem>>
    %dma_start3A_297 = arith.constant 0 : i32
    %dma_start3A_298 = arith.constant 0 : i32
    %dma_start3A_299 = tpu.memref_slice %arg4[%add3A_290, %dma_start3A_297, %dma_start3A_298] : memref<4096x200x32xf32, #tpu.memory_space<hbm>> -> memref<1x200x32xf32, #tpu.memory_space<hbm>>
    %dma_start3A_300 = tpu.memref_squeeze %dma_start3A_299 : memref<1x200x32xf32, #tpu.memory_space<hbm>> -> memref<200x32xf32, #tpu.memory_space<hbm>>
    %dma_start3A_301 = tpu.memref_slice %arg8[%dma_start3A_292] : memref<8x!tpu.dma_semaphore, #tpu.memory_space<semaphore_mem>> -> memref<1x!tpu.dma_semaphore, #tpu.memory_space<semaphore_mem>>
    %dma_start3A_302 = tpu.memref_squeeze %dma_start3A_301 : memref<1x!tpu.dma_semaphore, #tpu.memory_space<semaphore_mem>> -> memref<!tpu.dma_semaphore, #tpu.memory_space<semaphore_mem>>
    %dma_start3A_303 = arith.constant 0 : i32
    %dma_start3A_304 = arith.constant 0 : i32
    %dma_start3A_305 = tpu.memref_slice %arg4[%add3A_290, %dma_start3A_303, %dma_start3A_304] : memref<4096x200x32xf32, #tpu.memory_space<hbm>> -> memref<1x200x32xf32, #tpu.memory_space<hbm>>
    %dma_start3A_306 = tpu.memref_squeeze %dma_start3A_305 : memref<1x200x32xf32, #tpu.memory_space<hbm>> -> memref<200x32xf32, #tpu.memory_space<hbm>>
    %dma_start3A_307 = arith.constant 0 : i32
    %dma_start3A_308 = arith.constant 0 : i32
    %dma_start3A_309 = tpu.memref_slice %arg6[%dma_start3A_291, %dma_start3A_307, %dma_start3A_308] : memref<8x200x32xf32, #tpu.memory_space<vmem>> -> memref<1x200x32xf32, #tpu.memory_space<vmem>>
    %dma_start3A_310 = tpu.memref_squeeze %dma_start3A_309 : memref<1x200x32xf32, #tpu.memory_space<vmem>> -> memref<200x32xf32, #tpu.memory_space<vmem>>
    tpu.enqueue_dma source(%dma_start3A_310 : memref<200x32xf32, #tpu.memory_space<vmem>>) target(%dma_start3A_306 : memref<200x32xf32, #tpu.memory_space<hbm>>) target_semaphore(%dma_start3A_302 : memref<!tpu.dma_semaphore, #tpu.memory_space<semaphore_mem>>)
    %dma_wait3A_311 = arith.constant 125 : i32
    %dma_wait3A_312 = arith.constant 5 : i32
    %dma_wait3A_313 = arith.constant 5 : i32
    %dma_wait3A_314 = arith.constant 0 : i32
    %dma_wait3A_315 = arith.constant 0 : i32
    %dma_wait3A_316 = tpu.memref_slice %arg6[%dma_wait3A_312, %dma_wait3A_314, %dma_wait3A_315] : memref<8x200x32xf32, #tpu.memory_space<vmem>> -> memref<1x200x32xf32, #tpu.memory_space<vmem>>
    %dma_wait3A_317 = tpu.memref_squeeze %dma_wait3A_316 : memref<1x200x32xf32, #tpu.memory_space<vmem>> -> memref<200x32xf32, #tpu.memory_space<vmem>>
    %dma_wait3A_318 = arith.constant 0 : i32
    %dma_wait3A_319 = tpu.memref_slice %arg5[%dma_wait3A_311, %dma_wait3A_318] : memref<128x200xi32, #tpu.memory_space<vmem>> -> memref<1x200xi32, #tpu.memory_space<vmem>>
    %dma_wait3A_320 = tpu.memref_squeeze %dma_wait3A_319 : memref<1x200xi32, #tpu.memory_space<vmem>> -> memref<200xi32, #tpu.memory_space<vmem>>
    %dma_wait3A_321 = arith.constant 0 : i32
    %dma_wait3A_322 = arith.constant 0 : i32
    %dma_wait3A_323 = tpu.memref_slice %arg3[%dma_wait3A_321, %dma_wait3A_322] : memref<1000000x32xf32, #tpu.memory_space<hbm>> -> memref<1000000x32xf32, #tpu.memory_space<hbm>>
    %dma_wait3A_324 = tpu.memref_slice %arg7[%dma_wait3A_313] : memref<8x!tpu.dma_semaphore, #tpu.memory_space<semaphore_mem>> -> memref<1x!tpu.dma_semaphore, #tpu.memory_space<semaphore_mem>>
    %dma_wait3A_325 = tpu.memref_squeeze %dma_wait3A_324 : memref<1x!tpu.dma_semaphore, #tpu.memory_space<semaphore_mem>> -> memref<!tpu.dma_semaphore, #tpu.memory_space<semaphore_mem>>
    tpu.wait_indirect_dma semaphore(%dma_wait3A_325 : memref<!tpu.dma_semaphore, #tpu.memory_space<semaphore_mem>>) src(%dma_wait3A_323 : memref<1000000x32xf32, #tpu.memory_space<hbm>>) dst(%dma_wait3A_317 : memref<200x32xf32, #tpu.memory_space<vmem>>)
    %add3A_326 = arith.constant 125 : i32
    %add3A_327 = arith.addi %mul3A_2, %add3A_326 : i32
    %dma_start3A_328 = arith.constant 5 : i32
    %dma_start3A_329 = arith.constant 5 : i32
    %dma_start3A_330 = arith.constant 0 : i32
    %dma_start3A_331 = arith.constant 0 : i32
    %dma_start3A_332 = tpu.memref_slice %arg6[%dma_start3A_328, %dma_start3A_330, %dma_start3A_331] : memref<8x200x32xf32, #tpu.memory_space<vmem>> -> memref<1x200x32xf32, #tpu.memory_space<vmem>>
    %dma_start3A_333 = tpu.memref_squeeze %dma_start3A_332 : memref<1x200x32xf32, #tpu.memory_space<vmem>> -> memref<200x32xf32, #tpu.memory_space<vmem>>
    %dma_start3A_334 = arith.constant 0 : i32
    %dma_start3A_335 = arith.constant 0 : i32
    %dma_start3A_336 = tpu.memref_slice %arg4[%add3A_327, %dma_start3A_334, %dma_start3A_335] : memref<4096x200x32xf32, #tpu.memory_space<hbm>> -> memref<1x200x32xf32, #tpu.memory_space<hbm>>
    %dma_start3A_337 = tpu.memref_squeeze %dma_start3A_336 : memref<1x200x32xf32, #tpu.memory_space<hbm>> -> memref<200x32xf32, #tpu.memory_space<hbm>>
    %dma_start3A_338 = tpu.memref_slice %arg8[%dma_start3A_329] : memref<8x!tpu.dma_semaphore, #tpu.memory_space<semaphore_mem>> -> memref<1x!tpu.dma_semaphore, #tpu.memory_space<semaphore_mem>>
    %dma_start3A_339 = tpu.memref_squeeze %dma_start3A_338 : memref<1x!tpu.dma_semaphore, #tpu.memory_space<semaphore_mem>> -> memref<!tpu.dma_semaphore, #tpu.memory_space<semaphore_mem>>
    %dma_start3A_340 = arith.constant 0 : i32
    %dma_start3A_341 = arith.constant 0 : i32
    %dma_start3A_342 = tpu.memref_slice %arg4[%add3A_327, %dma_start3A_340, %dma_start3A_341] : memref<4096x200x32xf32, #tpu.memory_space<hbm>> -> memref<1x200x32xf32, #tpu.memory_space<hbm>>
    %dma_start3A_343 = tpu.memref_squeeze %dma_start3A_342 : memref<1x200x32xf32, #tpu.memory_space<hbm>> -> memref<200x32xf32, #tpu.memory_space<hbm>>
    %dma_start3A_344 = arith.constant 0 : i32
    %dma_start3A_345 = arith.constant 0 : i32
    %dma_start3A_346 = tpu.memref_slice %arg6[%dma_start3A_328, %dma_start3A_344, %dma_start3A_345] : memref<8x200x32xf32, #tpu.memory_space<vmem>> -> memref<1x200x32xf32, #tpu.memory_space<vmem>>
    %dma_start3A_347 = tpu.memref_squeeze %dma_start3A_346 : memref<1x200x32xf32, #tpu.memory_space<vmem>> -> memref<200x32xf32, #tpu.memory_space<vmem>>
    tpu.enqueue_dma source(%dma_start3A_347 : memref<200x32xf32, #tpu.memory_space<vmem>>) target(%dma_start3A_343 : memref<200x32xf32, #tpu.memory_space<hbm>>) target_semaphore(%dma_start3A_339 : memref<!tpu.dma_semaphore, #tpu.memory_space<semaphore_mem>>)
    %dma_wait3A_348 = arith.constant 126 : i32
    %dma_wait3A_349 = arith.constant 6 : i32
    %dma_wait3A_350 = arith.constant 6 : i32
    %dma_wait3A_351 = arith.constant 0 : i32
    %dma_wait3A_352 = arith.constant 0 : i32
    %dma_wait3A_353 = tpu.memref_slice %arg6[%dma_wait3A_349, %dma_wait3A_351, %dma_wait3A_352] : memref<8x200x32xf32, #tpu.memory_space<vmem>> -> memref<1x200x32xf32, #tpu.memory_space<vmem>>
    %dma_wait3A_354 = tpu.memref_squeeze %dma_wait3A_353 : memref<1x200x32xf32, #tpu.memory_space<vmem>> -> memref<200x32xf32, #tpu.memory_space<vmem>>
    %dma_wait3A_355 = arith.constant 0 : i32
    %dma_wait3A_356 = tpu.memref_slice %arg5[%dma_wait3A_348, %dma_wait3A_355] : memref<128x200xi32, #tpu.memory_space<vmem>> -> memref<1x200xi32, #tpu.memory_space<vmem>>
    %dma_wait3A_357 = tpu.memref_squeeze %dma_wait3A_356 : memref<1x200xi32, #tpu.memory_space<vmem>> -> memref<200xi32, #tpu.memory_space<vmem>>
    %dma_wait3A_358 = arith.constant 0 : i32
    %dma_wait3A_359 = arith.constant 0 : i32
    %dma_wait3A_360 = tpu.memref_slice %arg3[%dma_wait3A_358, %dma_wait3A_359] : memref<1000000x32xf32, #tpu.memory_space<hbm>> -> memref<1000000x32xf32, #tpu.memory_space<hbm>>
    %dma_wait3A_361 = tpu.memref_slice %arg7[%dma_wait3A_350] : memref<8x!tpu.dma_semaphore, #tpu.memory_space<semaphore_mem>> -> memref<1x!tpu.dma_semaphore, #tpu.memory_space<semaphore_mem>>
    %dma_wait3A_362 = tpu.memref_squeeze %dma_wait3A_361 : memref<1x!tpu.dma_semaphore, #tpu.memory_space<semaphore_mem>> -> memref<!tpu.dma_semaphore, #tpu.memory_space<semaphore_mem>>
    tpu.wait_indirect_dma semaphore(%dma_wait3A_362 : memref<!tpu.dma_semaphore, #tpu.memory_space<semaphore_mem>>) src(%dma_wait3A_360 : memref<1000000x32xf32, #tpu.memory_space<hbm>>) dst(%dma_wait3A_354 : memref<200x32xf32, #tpu.memory_space<vmem>>)
    %add3A_363 = arith.constant 126 : i32
    %add3A_364 = arith.addi %mul3A_2, %add3A_363 : i32
    %dma_start3A_365 = arith.constant 6 : i32
    %dma_start3A_366 = arith.constant 6 : i32
    %dma_start3A_367 = arith.constant 0 : i32
    %dma_start3A_368 = arith.constant 0 : i32
    %dma_start3A_369 = tpu.memref_slice %arg6[%dma_start3A_365, %dma_start3A_367, %dma_start3A_368] : memref<8x200x32xf32, #tpu.memory_space<vmem>> -> memref<1x200x32xf32, #tpu.memory_space<vmem>>
    %dma_start3A_370 = tpu.memref_squeeze %dma_start3A_369 : memref<1x200x32xf32, #tpu.memory_space<vmem>> -> memref<200x32xf32, #tpu.memory_space<vmem>>
    %dma_start3A_371 = arith.constant 0 : i32
    %dma_start3A_372 = arith.constant 0 : i32
    %dma_start3A_373 = tpu.memref_slice %arg4[%add3A_364, %dma_start3A_371, %dma_start3A_372] : memref<4096x200x32xf32, #tpu.memory_space<hbm>> -> memref<1x200x32xf32, #tpu.memory_space<hbm>>
    %dma_start3A_374 = tpu.memref_squeeze %dma_start3A_373 : memref<1x200x32xf32, #tpu.memory_space<hbm>> -> memref<200x32xf32, #tpu.memory_space<hbm>>
    %dma_start3A_375 = tpu.memref_slice %arg8[%dma_start3A_366] : memref<8x!tpu.dma_semaphore, #tpu.memory_space<semaphore_mem>> -> memref<1x!tpu.dma_semaphore, #tpu.memory_space<semaphore_mem>>
    %dma_start3A_376 = tpu.memref_squeeze %dma_start3A_375 : memref<1x!tpu.dma_semaphore, #tpu.memory_space<semaphore_mem>> -> memref<!tpu.dma_semaphore, #tpu.memory_space<semaphore_mem>>
    %dma_start3A_377 = arith.constant 0 : i32
    %dma_start3A_378 = arith.constant 0 : i32
    %dma_start3A_379 = tpu.memref_slice %arg4[%add3A_364, %dma_start3A_377, %dma_start3A_378] : memref<4096x200x32xf32, #tpu.memory_space<hbm>> -> memref<1x200x32xf32, #tpu.memory_space<hbm>>
    %dma_start3A_380 = tpu.memref_squeeze %dma_start3A_379 : memref<1x200x32xf32, #tpu.memory_space<hbm>> -> memref<200x32xf32, #tpu.memory_space<hbm>>
    %dma_start3A_381 = arith.constant 0 : i32
    %dma_start3A_382 = arith.constant 0 : i32
    %dma_start3A_383 = tpu.memref_slice %arg6[%dma_start3A_365, %dma_start3A_381, %dma_start3A_382] : memref<8x200x32xf32, #tpu.memory_space<vmem>> -> memref<1x200x32xf32, #tpu.memory_space<vmem>>
    %dma_start3A_384 = tpu.memref_squeeze %dma_start3A_383 : memref<1x200x32xf32, #tpu.memory_space<vmem>> -> memref<200x32xf32, #tpu.memory_space<vmem>>
    tpu.enqueue_dma source(%dma_start3A_384 : memref<200x32xf32, #tpu.memory_space<vmem>>) target(%dma_start3A_380 : memref<200x32xf32, #tpu.memory_space<hbm>>) target_semaphore(%dma_start3A_376 : memref<!tpu.dma_semaphore, #tpu.memory_space<semaphore_mem>>)
    %dma_wait3A_385 = arith.constant 127 : i32
    %dma_wait3A_386 = arith.constant 7 : i32
    %dma_wait3A_387 = arith.constant 7 : i32
    %dma_wait3A_388 = arith.constant 0 : i32
    %dma_wait3A_389 = arith.constant 0 : i32
    %dma_wait3A_390 = tpu.memref_slice %arg6[%dma_wait3A_386, %dma_wait3A_388, %dma_wait3A_389] : memref<8x200x32xf32, #tpu.memory_space<vmem>> -> memref<1x200x32xf32, #tpu.memory_space<vmem>>
    %dma_wait3A_391 = tpu.memref_squeeze %dma_wait3A_390 : memref<1x200x32xf32, #tpu.memory_space<vmem>> -> memref<200x32xf32, #tpu.memory_space<vmem>>
    %dma_wait3A_392 = arith.constant 0 : i32
    %dma_wait3A_393 = tpu.memref_slice %arg5[%dma_wait3A_385, %dma_wait3A_392] : memref<128x200xi32, #tpu.memory_space<vmem>> -> memref<1x200xi32, #tpu.memory_space<vmem>>
    %dma_wait3A_394 = tpu.memref_squeeze %dma_wait3A_393 : memref<1x200xi32, #tpu.memory_space<vmem>> -> memref<200xi32, #tpu.memory_space<vmem>>
    %dma_wait3A_395 = arith.constant 0 : i32
    %dma_wait3A_396 = arith.constant 0 : i32
    %dma_wait3A_397 = tpu.memref_slice %arg3[%dma_wait3A_395, %dma_wait3A_396] : memref<1000000x32xf32, #tpu.memory_space<hbm>> -> memref<1000000x32xf32, #tpu.memory_space<hbm>>
    %dma_wait3A_398 = tpu.memref_slice %arg7[%dma_wait3A_387] : memref<8x!tpu.dma_semaphore, #tpu.memory_space<semaphore_mem>> -> memref<1x!tpu.dma_semaphore, #tpu.memory_space<semaphore_mem>>
    %dma_wait3A_399 = tpu.memref_squeeze %dma_wait3A_398 : memref<1x!tpu.dma_semaphore, #tpu.memory_space<semaphore_mem>> -> memref<!tpu.dma_semaphore, #tpu.memory_space<semaphore_mem>>
    tpu.wait_indirect_dma semaphore(%dma_wait3A_399 : memref<!tpu.dma_semaphore, #tpu.memory_space<semaphore_mem>>) src(%dma_wait3A_397 : memref<1000000x32xf32, #tpu.memory_space<hbm>>) dst(%dma_wait3A_391 : memref<200x32xf32, #tpu.memory_space<vmem>>)
    %add3A_400 = arith.constant 127 : i32
    %add3A_401 = arith.addi %mul3A_2, %add3A_400 : i32
    %dma_start3A_402 = arith.constant 7 : i32
    %dma_start3A_403 = arith.constant 7 : i32
    %dma_start3A_404 = arith.constant 0 : i32
    %dma_start3A_405 = arith.constant 0 : i32
    %dma_start3A_406 = tpu.memref_slice %arg6[%dma_start3A_402, %dma_start3A_404, %dma_start3A_405] : memref<8x200x32xf32, #tpu.memory_space<vmem>> -> memref<1x200x32xf32, #tpu.memory_space<vmem>>
    %dma_start3A_407 = tpu.memref_squeeze %dma_start3A_406 : memref<1x200x32xf32, #tpu.memory_space<vmem>> -> memref<200x32xf32, #tpu.memory_space<vmem>>
    %dma_start3A_408 = arith.constant 0 : i32
    %dma_start3A_409 = arith.constant 0 : i32
    %dma_start3A_410 = tpu.memref_slice %arg4[%add3A_401, %dma_start3A_408, %dma_start3A_409] : memref<4096x200x32xf32, #tpu.memory_space<hbm>> -> memref<1x200x32xf32, #tpu.memory_space<hbm>>
    %dma_start3A_411 = tpu.memref_squeeze %dma_start3A_410 : memref<1x200x32xf32, #tpu.memory_space<hbm>> -> memref<200x32xf32, #tpu.memory_space<hbm>>
    %dma_start3A_412 = tpu.memref_slice %arg8[%dma_start3A_403] : memref<8x!tpu.dma_semaphore, #tpu.memory_space<semaphore_mem>> -> memref<1x!tpu.dma_semaphore, #tpu.memory_space<semaphore_mem>>
    %dma_start3A_413 = tpu.memref_squeeze %dma_start3A_412 : memref<1x!tpu.dma_semaphore, #tpu.memory_space<semaphore_mem>> -> memref<!tpu.dma_semaphore, #tpu.memory_space<semaphore_mem>>
    %dma_start3A_414 = arith.constant 0 : i32
    %dma_start3A_415 = arith.constant 0 : i32
    %dma_start3A_416 = tpu.memref_slice %arg4[%add3A_401, %dma_start3A_414, %dma_start3A_415] : memref<4096x200x32xf32, #tpu.memory_space<hbm>> -> memref<1x200x32xf32, #tpu.memory_space<hbm>>
    %dma_start3A_417 = tpu.memref_squeeze %dma_start3A_416 : memref<1x200x32xf32, #tpu.memory_space<hbm>> -> memref<200x32xf32, #tpu.memory_space<hbm>>
    %dma_start3A_418 = arith.constant 0 : i32
    %dma_start3A_419 = arith.constant 0 : i32
    %dma_start3A_420 = tpu.memref_slice %arg6[%dma_start3A_402, %dma_start3A_418, %dma_start3A_419] : memref<8x200x32xf32, #tpu.memory_space<vmem>> -> memref<1x200x32xf32, #tpu.memory_space<vmem>>
    %dma_start3A_421 = tpu.memref_squeeze %dma_start3A_420 : memref<1x200x32xf32, #tpu.memory_space<vmem>> -> memref<200x32xf32, #tpu.memory_space<vmem>>
    tpu.enqueue_dma source(%dma_start3A_421 : memref<200x32xf32, #tpu.memory_space<vmem>>) target(%dma_start3A_417 : memref<200x32xf32, #tpu.memory_space<hbm>>) target_semaphore(%dma_start3A_413 : memref<!tpu.dma_semaphore, #tpu.memory_space<semaphore_mem>>)
    %add3A_422 = arith.constant 120 : i32
    %add3A_423 = arith.addi %mul3A_2, %add3A_422 : i32
    %dma_wait3A_424 = arith.constant 0 : i32
    %dma_wait3A_425 = arith.constant 0 : i32
    %dma_wait3A_426 = arith.constant 0 : i32
    %dma_wait3A_427 = arith.constant 0 : i32
    %dma_wait3A_428 = tpu.memref_slice %arg6[%dma_wait3A_424, %dma_wait3A_426, %dma_wait3A_427] : memref<8x200x32xf32, #tpu.memory_space<vmem>> -> memref<1x200x32xf32, #tpu.memory_space<vmem>>
    %dma_wait3A_429 = tpu.memref_squeeze %dma_wait3A_428 : memref<1x200x32xf32, #tpu.memory_space<vmem>> -> memref<200x32xf32, #tpu.memory_space<vmem>>
    %dma_wait3A_430 = arith.constant 0 : i32
    %dma_wait3A_431 = arith.constant 0 : i32
    %dma_wait3A_432 = tpu.memref_slice %arg4[%add3A_423, %dma_wait3A_430, %dma_wait3A_431] : memref<4096x200x32xf32, #tpu.memory_space<hbm>> -> memref<1x200x32xf32, #tpu.memory_space<hbm>>
    %dma_wait3A_433 = tpu.memref_squeeze %dma_wait3A_432 : memref<1x200x32xf32, #tpu.memory_space<hbm>> -> memref<200x32xf32, #tpu.memory_space<hbm>>
    %dma_wait3A_434 = tpu.memref_slice %arg8[%dma_wait3A_425] : memref<8x!tpu.dma_semaphore, #tpu.memory_space<semaphore_mem>> -> memref<1x!tpu.dma_semaphore, #tpu.memory_space<semaphore_mem>>
    %dma_wait3A_435 = tpu.memref_squeeze %dma_wait3A_434 : memref<1x!tpu.dma_semaphore, #tpu.memory_space<semaphore_mem>> -> memref<!tpu.dma_semaphore, #tpu.memory_space<semaphore_mem>>
    %dma_wait3A_436 = arith.constant 0 : i32
    %dma_wait3A_437 = arith.constant 0 : i32
    %dma_wait3A_438 = tpu.memref_slice %arg4[%add3A_423, %dma_wait3A_436, %dma_wait3A_437] : memref<4096x200x32xf32, #tpu.memory_space<hbm>> -> memref<1x200x32xf32, #tpu.memory_space<hbm>>
    %dma_wait3A_439 = tpu.memref_squeeze %dma_wait3A_438 : memref<1x200x32xf32, #tpu.memory_space<hbm>> -> memref<200x32xf32, #tpu.memory_space<hbm>>
    %dma_wait3A_440 = arith.constant 0 : i32
    %dma_wait3A_441 = arith.constant 0 : i32
    %dma_wait3A_442 = tpu.memref_slice %arg6[%dma_wait3A_424, %dma_wait3A_440, %dma_wait3A_441] : memref<8x200x32xf32, #tpu.memory_space<vmem>> -> memref<1x200x32xf32, #tpu.memory_space<vmem>>
    %dma_wait3A_443 = tpu.memref_squeeze %dma_wait3A_442 : memref<1x200x32xf32, #tpu.memory_space<vmem>> -> memref<200x32xf32, #tpu.memory_space<vmem>>
    tpu.wait_dma2 semaphore(%dma_wait3A_435 : memref<!tpu.dma_semaphore, #tpu.memory_space<semaphore_mem>>) src(%dma_wait3A_443 : memref<200x32xf32, #tpu.memory_space<vmem>>) dst(%dma_wait3A_439 : memref<200x32xf32, #tpu.memory_space<hbm>>)
    %add3A_444 = arith.constant 121 : i32
    %add3A_445 = arith.addi %mul3A_2, %add3A_444 : i32
    %dma_wait3A_446 = arith.constant 1 : i32
    %dma_wait3A_447 = arith.constant 1 : i32
    %dma_wait3A_448 = arith.constant 0 : i32
    %dma_wait3A_449 = arith.constant 0 : i32
    %dma_wait3A_450 = tpu.memref_slice %arg6[%dma_wait3A_446, %dma_wait3A_448, %dma_wait3A_449] : memref<8x200x32xf32, #tpu.memory_space<vmem>> -> memref<1x200x32xf32, #tpu.memory_space<vmem>>
    %dma_wait3A_451 = tpu.memref_squeeze %dma_wait3A_450 : memref<1x200x32xf32, #tpu.memory_space<vmem>> -> memref<200x32xf32, #tpu.memory_space<vmem>>
    %dma_wait3A_452 = arith.constant 0 : i32
    %dma_wait3A_453 = arith.constant 0 : i32
    %dma_wait3A_454 = tpu.memref_slice %arg4[%add3A_445, %dma_wait3A_452, %dma_wait3A_453] : memref<4096x200x32xf32, #tpu.memory_space<hbm>> -> memref<1x200x32xf32, #tpu.memory_space<hbm>>
    %dma_wait3A_455 = tpu.memref_squeeze %dma_wait3A_454 : memref<1x200x32xf32, #tpu.memory_space<hbm>> -> memref<200x32xf32, #tpu.memory_space<hbm>>
    %dma_wait3A_456 = tpu.memref_slice %arg8[%dma_wait3A_447] : memref<8x!tpu.dma_semaphore, #tpu.memory_space<semaphore_mem>> -> memref<1x!tpu.dma_semaphore, #tpu.memory_space<semaphore_mem>>
    %dma_wait3A_457 = tpu.memref_squeeze %dma_wait3A_456 : memref<1x!tpu.dma_semaphore, #tpu.memory_space<semaphore_mem>> -> memref<!tpu.dma_semaphore, #tpu.memory_space<semaphore_mem>>
    %dma_wait3A_458 = arith.constant 0 : i32
    %dma_wait3A_459 = arith.constant 0 : i32
    %dma_wait3A_460 = tpu.memref_slice %arg4[%add3A_445, %dma_wait3A_458, %dma_wait3A_459] : memref<4096x200x32xf32, #tpu.memory_space<hbm>> -> memref<1x200x32xf32, #tpu.memory_space<hbm>>
    %dma_wait3A_461 = tpu.memref_squeeze %dma_wait3A_460 : memref<1x200x32xf32, #tpu.memory_space<hbm>> -> memref<200x32xf32, #tpu.memory_space<hbm>>
    %dma_wait3A_462 = arith.constant 0 : i32
    %dma_wait3A_463 = arith.constant 0 : i32
    %dma_wait3A_464 = tpu.memref_slice %arg6[%dma_wait3A_446, %dma_wait3A_462, %dma_wait3A_463] : memref<8x200x32xf32, #tpu.memory_space<vmem>> -> memref<1x200x32xf32, #tpu.memory_space<vmem>>
    %dma_wait3A_465 = tpu.memref_squeeze %dma_wait3A_464 : memref<1x200x32xf32, #tpu.memory_space<vmem>> -> memref<200x32xf32, #tpu.memory_space<vmem>>
    tpu.wait_dma2 semaphore(%dma_wait3A_457 : memref<!tpu.dma_semaphore, #tpu.memory_space<semaphore_mem>>) src(%dma_wait3A_465 : memref<200x32xf32, #tpu.memory_space<vmem>>) dst(%dma_wait3A_461 : memref<200x32xf32, #tpu.memory_space<hbm>>)
    %add3A_466 = arith.constant 122 : i32
    %add3A_467 = arith.addi %mul3A_2, %add3A_466 : i32
    %dma_wait3A_468 = arith.constant 2 : i32
    %dma_wait3A_469 = arith.constant 2 : i32
    %dma_wait3A_470 = arith.constant 0 : i32
    %dma_wait3A_471 = arith.constant 0 : i32
    %dma_wait3A_472 = tpu.memref_slice %arg6[%dma_wait3A_468, %dma_wait3A_470, %dma_wait3A_471] : memref<8x200x32xf32, #tpu.memory_space<vmem>> -> memref<1x200x32xf32, #tpu.memory_space<vmem>>
    %dma_wait3A_473 = tpu.memref_squeeze %dma_wait3A_472 : memref<1x200x32xf32, #tpu.memory_space<vmem>> -> memref<200x32xf32, #tpu.memory_space<vmem>>
    %dma_wait3A_474 = arith.constant 0 : i32
    %dma_wait3A_475 = arith.constant 0 : i32
    %dma_wait3A_476 = tpu.memref_slice %arg4[%add3A_467, %dma_wait3A_474, %dma_wait3A_475] : memref<4096x200x32xf32, #tpu.memory_space<hbm>> -> memref<1x200x32xf32, #tpu.memory_space<hbm>>
    %dma_wait3A_477 = tpu.memref_squeeze %dma_wait3A_476 : memref<1x200x32xf32, #tpu.memory_space<hbm>> -> memref<200x32xf32, #tpu.memory_space<hbm>>
    %dma_wait3A_478 = tpu.memref_slice %arg8[%dma_wait3A_469] : memref<8x!tpu.dma_semaphore, #tpu.memory_space<semaphore_mem>> -> memref<1x!tpu.dma_semaphore, #tpu.memory_space<semaphore_mem>>
    %dma_wait3A_479 = tpu.memref_squeeze %dma_wait3A_478 : memref<1x!tpu.dma_semaphore, #tpu.memory_space<semaphore_mem>> -> memref<!tpu.dma_semaphore, #tpu.memory_space<semaphore_mem>>
    %dma_wait3A_480 = arith.constant 0 : i32
    %dma_wait3A_481 = arith.constant 0 : i32
    %dma_wait3A_482 = tpu.memref_slice %arg4[%add3A_467, %dma_wait3A_480, %dma_wait3A_481] : memref<4096x200x32xf32, #tpu.memory_space<hbm>> -> memref<1x200x32xf32, #tpu.memory_space<hbm>>
    %dma_wait3A_483 = tpu.memref_squeeze %dma_wait3A_482 : memref<1x200x32xf32, #tpu.memory_space<hbm>> -> memref<200x32xf32, #tpu.memory_space<hbm>>
    %dma_wait3A_484 = arith.constant 0 : i32
    %dma_wait3A_485 = arith.constant 0 : i32
    %dma_wait3A_486 = tpu.memref_slice %arg6[%dma_wait3A_468, %dma_wait3A_484, %dma_wait3A_485] : memref<8x200x32xf32, #tpu.memory_space<vmem>> -> memref<1x200x32xf32, #tpu.memory_space<vmem>>
    %dma_wait3A_487 = tpu.memref_squeeze %dma_wait3A_486 : memref<1x200x32xf32, #tpu.memory_space<vmem>> -> memref<200x32xf32, #tpu.memory_space<vmem>>
    tpu.wait_dma2 semaphore(%dma_wait3A_479 : memref<!tpu.dma_semaphore, #tpu.memory_space<semaphore_mem>>) src(%dma_wait3A_487 : memref<200x32xf32, #tpu.memory_space<vmem>>) dst(%dma_wait3A_483 : memref<200x32xf32, #tpu.memory_space<hbm>>)
    %add3A_488 = arith.constant 123 : i32
    %add3A_489 = arith.addi %mul3A_2, %add3A_488 : i32
    %dma_wait3A_490 = arith.constant 3 : i32
    %dma_wait3A_491 = arith.constant 3 : i32
    %dma_wait3A_492 = arith.constant 0 : i32
    %dma_wait3A_493 = arith.constant 0 : i32
    %dma_wait3A_494 = tpu.memref_slice %arg6[%dma_wait3A_490, %dma_wait3A_492, %dma_wait3A_493] : memref<8x200x32xf32, #tpu.memory_space<vmem>> -> memref<1x200x32xf32, #tpu.memory_space<vmem>>
    %dma_wait3A_495 = tpu.memref_squeeze %dma_wait3A_494 : memref<1x200x32xf32, #tpu.memory_space<vmem>> -> memref<200x32xf32, #tpu.memory_space<vmem>>
    %dma_wait3A_496 = arith.constant 0 : i32
    %dma_wait3A_497 = arith.constant 0 : i32
    %dma_wait3A_498 = tpu.memref_slice %arg4[%add3A_489, %dma_wait3A_496, %dma_wait3A_497] : memref<4096x200x32xf32, #tpu.memory_space<hbm>> -> memref<1x200x32xf32, #tpu.memory_space<hbm>>
    %dma_wait3A_499 = tpu.memref_squeeze %dma_wait3A_498 : memref<1x200x32xf32, #tpu.memory_space<hbm>> -> memref<200x32xf32, #tpu.memory_space<hbm>>
    %dma_wait3A_500 = tpu.memref_slice %arg8[%dma_wait3A_491] : memref<8x!tpu.dma_semaphore, #tpu.memory_space<semaphore_mem>> -> memref<1x!tpu.dma_semaphore, #tpu.memory_space<semaphore_mem>>
    %dma_wait3A_501 = tpu.memref_squeeze %dma_wait3A_500 : memref<1x!tpu.dma_semaphore, #tpu.memory_space<semaphore_mem>> -> memref<!tpu.dma_semaphore, #tpu.memory_space<semaphore_mem>>
    %dma_wait3A_502 = arith.constant 0 : i32
    %dma_wait3A_503 = arith.constant 0 : i32
    %dma_wait3A_504 = tpu.memref_slice %arg4[%add3A_489, %dma_wait3A_502, %dma_wait3A_503] : memref<4096x200x32xf32, #tpu.memory_space<hbm>> -> memref<1x200x32xf32, #tpu.memory_space<hbm>>
    %dma_wait3A_505 = tpu.memref_squeeze %dma_wait3A_504 : memref<1x200x32xf32, #tpu.memory_space<hbm>> -> memref<200x32xf32, #tpu.memory_space<hbm>>
    %dma_wait3A_506 = arith.constant 0 : i32
    %dma_wait3A_507 = arith.constant 0 : i32
    %dma_wait3A_508 = tpu.memref_slice %arg6[%dma_wait3A_490, %dma_wait3A_506, %dma_wait3A_507] : memref<8x200x32xf32, #tpu.memory_space<vmem>> -> memref<1x200x32xf32, #tpu.memory_space<vmem>>
    %dma_wait3A_509 = tpu.memref_squeeze %dma_wait3A_508 : memref<1x200x32xf32, #tpu.memory_space<vmem>> -> memref<200x32xf32, #tpu.memory_space<vmem>>
    tpu.wait_dma2 semaphore(%dma_wait3A_501 : memref<!tpu.dma_semaphore, #tpu.memory_space<semaphore_mem>>) src(%dma_wait3A_509 : memref<200x32xf32, #tpu.memory_space<vmem>>) dst(%dma_wait3A_505 : memref<200x32xf32, #tpu.memory_space<hbm>>)
    %add3A_510 = arith.constant 124 : i32
    %add3A_511 = arith.addi %mul3A_2, %add3A_510 : i32
    %dma_wait3A_512 = arith.constant 4 : i32
    %dma_wait3A_513 = arith.constant 4 : i32
    %dma_wait3A_514 = arith.constant 0 : i32
    %dma_wait3A_515 = arith.constant 0 : i32
    %dma_wait3A_516 = tpu.memref_slice %arg6[%dma_wait3A_512, %dma_wait3A_514, %dma_wait3A_515] : memref<8x200x32xf32, #tpu.memory_space<vmem>> -> memref<1x200x32xf32, #tpu.memory_space<vmem>>
    %dma_wait3A_517 = tpu.memref_squeeze %dma_wait3A_516 : memref<1x200x32xf32, #tpu.memory_space<vmem>> -> memref<200x32xf32, #tpu.memory_space<vmem>>
    %dma_wait3A_518 = arith.constant 0 : i32
    %dma_wait3A_519 = arith.constant 0 : i32
    %dma_wait3A_520 = tpu.memref_slice %arg4[%add3A_511, %dma_wait3A_518, %dma_wait3A_519] : memref<4096x200x32xf32, #tpu.memory_space<hbm>> -> memref<1x200x32xf32, #tpu.memory_space<hbm>>
    %dma_wait3A_521 = tpu.memref_squeeze %dma_wait3A_520 : memref<1x200x32xf32, #tpu.memory_space<hbm>> -> memref<200x32xf32, #tpu.memory_space<hbm>>
    %dma_wait3A_522 = tpu.memref_slice %arg8[%dma_wait3A_513] : memref<8x!tpu.dma_semaphore, #tpu.memory_space<semaphore_mem>> -> memref<1x!tpu.dma_semaphore, #tpu.memory_space<semaphore_mem>>
    %dma_wait3A_523 = tpu.memref_squeeze %dma_wait3A_522 : memref<1x!tpu.dma_semaphore, #tpu.memory_space<semaphore_mem>> -> memref<!tpu.dma_semaphore, #tpu.memory_space<semaphore_mem>>
    %dma_wait3A_524 = arith.constant 0 : i32
    %dma_wait3A_525 = arith.constant 0 : i32
    %dma_wait3A_526 = tpu.memref_slice %arg4[%add3A_511, %dma_wait3A_524, %dma_wait3A_525] : memref<4096x200x32xf32, #tpu.memory_space<hbm>> -> memref<1x200x32xf32, #tpu.memory_space<hbm>>
    %dma_wait3A_527 = tpu.memref_squeeze %dma_wait3A_526 : memref<1x200x32xf32, #tpu.memory_space<hbm>> -> memref<200x32xf32, #tpu.memory_space<hbm>>
    %dma_wait3A_528 = arith.constant 0 : i32
    %dma_wait3A_529 = arith.constant 0 : i32
    %dma_wait3A_530 = tpu.memref_slice %arg6[%dma_wait3A_512, %dma_wait3A_528, %dma_wait3A_529] : memref<8x200x32xf32, #tpu.memory_space<vmem>> -> memref<1x200x32xf32, #tpu.memory_space<vmem>>
    %dma_wait3A_531 = tpu.memref_squeeze %dma_wait3A_530 : memref<1x200x32xf32, #tpu.memory_space<vmem>> -> memref<200x32xf32, #tpu.memory_space<vmem>>
    tpu.wait_dma2 semaphore(%dma_wait3A_523 : memref<!tpu.dma_semaphore, #tpu.memory_space<semaphore_mem>>) src(%dma_wait3A_531 : memref<200x32xf32, #tpu.memory_space<vmem>>) dst(%dma_wait3A_527 : memref<200x32xf32, #tpu.memory_space<hbm>>)
    %add3A_532 = arith.constant 125 : i32
    %add3A_533 = arith.addi %mul3A_2, %add3A_532 : i32
    %dma_wait3A_534 = arith.constant 5 : i32
    %dma_wait3A_535 = arith.constant 5 : i32
    %dma_wait3A_536 = arith.constant 0 : i32
    %dma_wait3A_537 = arith.constant 0 : i32
    %dma_wait3A_538 = tpu.memref_slice %arg6[%dma_wait3A_534, %dma_wait3A_536, %dma_wait3A_537] : memref<8x200x32xf32, #tpu.memory_space<vmem>> -> memref<1x200x32xf32, #tpu.memory_space<vmem>>
    %dma_wait3A_539 = tpu.memref_squeeze %dma_wait3A_538 : memref<1x200x32xf32, #tpu.memory_space<vmem>> -> memref<200x32xf32, #tpu.memory_space<vmem>>
    %dma_wait3A_540 = arith.constant 0 : i32
    %dma_wait3A_541 = arith.constant 0 : i32
    %dma_wait3A_542 = tpu.memref_slice %arg4[%add3A_533, %dma_wait3A_540, %dma_wait3A_541] : memref<4096x200x32xf32, #tpu.memory_space<hbm>> -> memref<1x200x32xf32, #tpu.memory_space<hbm>>
    %dma_wait3A_543 = tpu.memref_squeeze %dma_wait3A_542 : memref<1x200x32xf32, #tpu.memory_space<hbm>> -> memref<200x32xf32, #tpu.memory_space<hbm>>
    %dma_wait3A_544 = tpu.memref_slice %arg8[%dma_wait3A_535] : memref<8x!tpu.dma_semaphore, #tpu.memory_space<semaphore_mem>> -> memref<1x!tpu.dma_semaphore, #tpu.memory_space<semaphore_mem>>
    %dma_wait3A_545 = tpu.memref_squeeze %dma_wait3A_544 : memref<1x!tpu.dma_semaphore, #tpu.memory_space<semaphore_mem>> -> memref<!tpu.dma_semaphore, #tpu.memory_space<semaphore_mem>>
    %dma_wait3A_546 = arith.constant 0 : i32
    %dma_wait3A_547 = arith.constant 0 : i32
    %dma_wait3A_548 = tpu.memref_slice %arg4[%add3A_533, %dma_wait3A_546, %dma_wait3A_547] : memref<4096x200x32xf32, #tpu.memory_space<hbm>> -> memref<1x200x32xf32, #tpu.memory_space<hbm>>
    %dma_wait3A_549 = tpu.memref_squeeze %dma_wait3A_548 : memref<1x200x32xf32, #tpu.memory_space<hbm>> -> memref<200x32xf32, #tpu.memory_space<hbm>>
    %dma_wait3A_550 = arith.constant 0 : i32
    %dma_wait3A_551 = arith.constant 0 : i32
    %dma_wait3A_552 = tpu.memref_slice %arg6[%dma_wait3A_534, %dma_wait3A_550, %dma_wait3A_551] : memref<8x200x32xf32, #tpu.memory_space<vmem>> -> memref<1x200x32xf32, #tpu.memory_space<vmem>>
    %dma_wait3A_553 = tpu.memref_squeeze %dma_wait3A_552 : memref<1x200x32xf32, #tpu.memory_space<vmem>> -> memref<200x32xf32, #tpu.memory_space<vmem>>
    tpu.wait_dma2 semaphore(%dma_wait3A_545 : memref<!tpu.dma_semaphore, #tpu.memory_space<semaphore_mem>>) src(%dma_wait3A_553 : memref<200x32xf32, #tpu.memory_space<vmem>>) dst(%dma_wait3A_549 : memref<200x32xf32, #tpu.memory_space<hbm>>)
    %add3A_554 = arith.constant 126 : i32
    %add3A_555 = arith.addi %mul3A_2, %add3A_554 : i32
    %dma_wait3A_556 = arith.constant 6 : i32
    %dma_wait3A_557 = arith.constant 6 : i32
    %dma_wait3A_558 = arith.constant 0 : i32
    %dma_wait3A_559 = arith.constant 0 : i32
    %dma_wait3A_560 = tpu.memref_slice %arg6[%dma_wait3A_556, %dma_wait3A_558, %dma_wait3A_559] : memref<8x200x32xf32, #tpu.memory_space<vmem>> -> memref<1x200x32xf32, #tpu.memory_space<vmem>>
    %dma_wait3A_561 = tpu.memref_squeeze %dma_wait3A_560 : memref<1x200x32xf32, #tpu.memory_space<vmem>> -> memref<200x32xf32, #tpu.memory_space<vmem>>
    %dma_wait3A_562 = arith.constant 0 : i32
    %dma_wait3A_563 = arith.constant 0 : i32
    %dma_wait3A_564 = tpu.memref_slice %arg4[%add3A_555, %dma_wait3A_562, %dma_wait3A_563] : memref<4096x200x32xf32, #tpu.memory_space<hbm>> -> memref<1x200x32xf32, #tpu.memory_space<hbm>>
    %dma_wait3A_565 = tpu.memref_squeeze %dma_wait3A_564 : memref<1x200x32xf32, #tpu.memory_space<hbm>> -> memref<200x32xf32, #tpu.memory_space<hbm>>
    %dma_wait3A_566 = tpu.memref_slice %arg8[%dma_wait3A_557] : memref<8x!tpu.dma_semaphore, #tpu.memory_space<semaphore_mem>> -> memref<1x!tpu.dma_semaphore, #tpu.memory_space<semaphore_mem>>
    %dma_wait3A_567 = tpu.memref_squeeze %dma_wait3A_566 : memref<1x!tpu.dma_semaphore, #tpu.memory_space<semaphore_mem>> -> memref<!tpu.dma_semaphore, #tpu.memory_space<semaphore_mem>>
    %dma_wait3A_568 = arith.constant 0 : i32
    %dma_wait3A_569 = arith.constant 0 : i32
    %dma_wait3A_570 = tpu.memref_slice %arg4[%add3A_555, %dma_wait3A_568, %dma_wait3A_569] : memref<4096x200x32xf32, #tpu.memory_space<hbm>> -> memref<1x200x32xf32, #tpu.memory_space<hbm>>
    %dma_wait3A_571 = tpu.memref_squeeze %dma_wait3A_570 : memref<1x200x32xf32, #tpu.memory_space<hbm>> -> memref<200x32xf32, #tpu.memory_space<hbm>>
    %dma_wait3A_572 = arith.constant 0 : i32
    %dma_wait3A_573 = arith.constant 0 : i32
    %dma_wait3A_574 = tpu.memref_slice %arg6[%dma_wait3A_556, %dma_wait3A_572, %dma_wait3A_573] : memref<8x200x32xf32, #tpu.memory_space<vmem>> -> memref<1x200x32xf32, #tpu.memory_space<vmem>>
    %dma_wait3A_575 = tpu.memref_squeeze %dma_wait3A_574 : memref<1x200x32xf32, #tpu.memory_space<vmem>> -> memref<200x32xf32, #tpu.memory_space<vmem>>
    tpu.wait_dma2 semaphore(%dma_wait3A_567 : memref<!tpu.dma_semaphore, #tpu.memory_space<semaphore_mem>>) src(%dma_wait3A_575 : memref<200x32xf32, #tpu.memory_space<vmem>>) dst(%dma_wait3A_571 : memref<200x32xf32, #tpu.memory_space<hbm>>)
    %add3A_576 = arith.constant 127 : i32
    %add3A_577 = arith.addi %mul3A_2, %add3A_576 : i32
    %dma_wait3A_578 = arith.constant 7 : i32
    %dma_wait3A_579 = arith.constant 7 : i32
    %dma_wait3A_580 = arith.constant 0 : i32
    %dma_wait3A_581 = arith.constant 0 : i32
    %dma_wait3A_582 = tpu.memref_slice %arg6[%dma_wait3A_578, %dma_wait3A_580, %dma_wait3A_581] : memref<8x200x32xf32, #tpu.memory_space<vmem>> -> memref<1x200x32xf32, #tpu.memory_space<vmem>>
    %dma_wait3A_583 = tpu.memref_squeeze %dma_wait3A_582 : memref<1x200x32xf32, #tpu.memory_space<vmem>> -> memref<200x32xf32, #tpu.memory_space<vmem>>
    %dma_wait3A_584 = arith.constant 0 : i32
    %dma_wait3A_585 = arith.constant 0 : i32
    %dma_wait3A_586 = tpu.memref_slice %arg4[%add3A_577, %dma_wait3A_584, %dma_wait3A_585] : memref<4096x200x32xf32, #tpu.memory_space<hbm>> -> memref<1x200x32xf32, #tpu.memory_space<hbm>>
    %dma_wait3A_587 = tpu.memref_squeeze %dma_wait3A_586 : memref<1x200x32xf32, #tpu.memory_space<hbm>> -> memref<200x32xf32, #tpu.memory_space<hbm>>
    %dma_wait3A_588 = tpu.memref_slice %arg8[%dma_wait3A_579] : memref<8x!tpu.dma_semaphore, #tpu.memory_space<semaphore_mem>> -> memref<1x!tpu.dma_semaphore, #tpu.memory_space<semaphore_mem>>
    %dma_wait3A_589 = tpu.memref_squeeze %dma_wait3A_588 : memref<1x!tpu.dma_semaphore, #tpu.memory_space<semaphore_mem>> -> memref<!tpu.dma_semaphore, #tpu.memory_space<semaphore_mem>>
    %dma_wait3A_590 = arith.constant 0 : i32
    %dma_wait3A_591 = arith.constant 0 : i32
    %dma_wait3A_592 = tpu.memref_slice %arg4[%add3A_577, %dma_wait3A_590, %dma_wait3A_591] : memref<4096x200x32xf32, #tpu.memory_space<hbm>> -> memref<1x200x32xf32, #tpu.memory_space<hbm>>
    %dma_wait3A_593 = tpu.memref_squeeze %dma_wait3A_592 : memref<1x200x32xf32, #tpu.memory_space<hbm>> -> memref<200x32xf32, #tpu.memory_space<hbm>>
    %dma_wait3A_594 = arith.constant 0 : i32
    %dma_wait3A_595 = arith.constant 0 : i32
    %dma_wait3A_596 = tpu.memref_slice %arg6[%dma_wait3A_578, %dma_wait3A_594, %dma_wait3A_595] : memref<8x200x32xf32, #tpu.memory_space<vmem>> -> memref<1x200x32xf32, #tpu.memory_space<vmem>>
    %dma_wait3A_597 = tpu.memref_squeeze %dma_wait3A_596 : memref<1x200x32xf32, #tpu.memory_space<vmem>> -> memref<200x32xf32, #tpu.memory_space<vmem>>
    tpu.wait_dma2 semaphore(%dma_wait3A_589 : memref<!tpu.dma_semaphore, #tpu.memory_space<semaphore_mem>>) src(%dma_wait3A_597 : memref<200x32xf32, #tpu.memory_space<vmem>>) dst(%dma_wait3A_593 : memref<200x32xf32, #tpu.memory_space<hbm>>)
    return
  }
}

</mosaic_0001>

<sc_bundles>
// kernel: kernel.3.cloned.1.call-start
scs
__scs_entry_jumppad:
0x0: {  	(pc) =	sbr.rel $0x88, $3  }
0x1: {  	(tag) =	ssettag $0x0;
	lr =	simm.s32 $0x1  }
0x2: {  	[smem:$0x3F9F] =	sst lr;
	_ =	strace $0xD0000000  }
0x3: {  	_ = 	snop  }
0x4: {  	_ = 	snop  }
0x5: {  	_ = 	snop  }
0x6: {  	_ = 	snop  }
0x7: {  	_ = 	snop  }
__scs_overlays_trampoline_lowered:
0x8: {  	[smem:$0x3FAE] =	sst s0  }
0x9: {  	[smem:$0x3FAF] =	sst s1  }
0xa: {  	[smem:$0x3FB0] =	sst s2  }
0xb: {  	[smem:$0x3FB1] =	sst s3  }
0xc: {  	[smem:$0x3FB2] =	sst s4  }
0xd: {  	[smem:$0x3FB3] =	sst s5  }
0xe: {  	[smem:$0x3FB4] =	sst s6  }
0xf: {  	[smem:$0x3FB5] =	sst s7  }
0x10: {  	[smem:$0x3FB6] =	sst s8  }
0x11: {  	[smem:$0x3FB7] =	sst s9;
	s0 =	simm.s32 @!p0 $0x0  }
0x12: {  	s1 =	sld [smem:$0x3F9D];
	s0 =	simm.s32 @p0 $0x1  }
0x13: {  	[smem:$0x3FB8] =	sst s0;
	s0 =	simm.s32 @!p1 $0x0  }
0x14: {  	s2 =	sld [smem:$0x3F9C];
	s0 =	simm.s32 @p1 $0x1  }
0x15: {  	[smem:$0x3FB9] =	sst s0;
	s0 =	simm.s32 @!p2 $0x0  }
0x16: {  	s3 =	sld [smem:$0x3FDB];
	s0 =	simm.s32 @p2 $0x1  }
0x17: {  	s4 =	simm.s32 $0x1BF5;
	[smem:$0x3FBB] =	sst s0  }
0x18: {  	s0 =	sld [smem:$0x3F9E];
	_ =	swait.ge [sflag:s4], $0x0  }
0x19: {  	s7 =	sld [smem:$0x3F9F]  }
0x1a: {  	s8 =	sadd.s32 $0xFFFFE003, lr  }
0x1b: {  	s9 =	sadd.s32 $0xFFFFFEF7, lr;
	s5 =	simm.s32 $0xFFFFFFFF;
	p2 =	slt.u32 s8, $0xFFFFF086  }
0x1c: {  	p1 =	slt.u32 s9, $0xF7A;
	s5 =	simm.s32 @!p2 $0x0  }
0x1d: {  	s5 =	simm.s32 @p1 $0x1;
	p0 =	seq.s32 s7, s2  }
0x1e: {  	s7 =	smul.u32 @!p0 $0xF7A, s2;
	p2 =	seq.s32 @!p0 s5, $0x0  }
0x1f: {  	s9 =	smul.u32 $0xF7A, s1;
	s8 =	simm.s32 @!p0 $0x1BF5;
	p2 =	por !p2, p0  }
0x20: {  	[sflag:s8] =	ssyncset.s32 @!p0 $0xFFFFF086;
	s6 =	sadd.s32 @!p0 s3, s7;
	s7 =	simm.s32 @!p0 $0x108  }
0x21: {  	s3 =	sadd.s32 s3, s9;
	s6 =	sadd.s32 @!p0 $0x88, s6;
	s7 =	simm.s32 @p2 $0x1082  }
0x22: {  	[simem:s7], [sflag:s8] =	dma.local @!p0 [hbm:s6], $0xF7A  }
0x23: {  	s9 =	sor.u32 $0xD0000000, s2;
	s6 =	simm.s32 $0x108;
	_ =	swait.ge @!p0 [sflag:s8], $0x0  }
0x24: {  	s3 =	sadd.s32 $0x88, s3;
	s6 =	simm.s32 @!p1 $0x1082;
	[sflag:s4] =	ssyncset.s32 $0xFFFFF086  }
0x25: {  	[simem:s6], [sflag:s4] =	dma.local [hbm:s3], $0xF7A  }
0x26: {  	[smem:$0x3F9F] =	sst s1;
	(tag) =	ssettag s2;
	_ =	strace s9  }
0x27: {  	s1 =	sld [smem:$0x3FAF]  }
0x28: {  	s2 =	sld [smem:$0x3FB0]  }
0x29: {  	s4 =	sld [smem:$0x3FB2]  }
0x2a: {  	p0 =	seq.s32 s5, $0x0;
	s5 =	sld [smem:$0x3FB3]  }
0x2b: {  	s6 =	sld [smem:$0x3FB4]  }
0x2c: {  	s7 =	sld [smem:$0x3FB5]  }
0x2d: {  	s3 =	simm.s32 $0x108;
	s8 =	sld [smem:$0x3FB6]  }
0x2e: {  	s3 =	simm.s32 @!p0 $0x1082;
	s9 =	sld [smem:$0x3FB7]  }
0x2f: {  	lr =	sadd.s32 s0, s3;
	s0 =	sld [smem:$0x3FAE]  }
0x30: {  	s3 =	sld [smem:$0x3FB1]  }
0x31: {  	[smem:$0x3FBA] =	sst s10  }
0x32: {  	s10 =	sld [smem:$0x3FB8];
	_ =	sdelay $0x3  }
0x33: {  	p0 =	seq.s32 s10, $0x1;
	s10 =	sld [smem:$0x3FBA];
	_ =	sdelay $0x3  }
0x34: {  	[smem:$0x3FBA] =	sst s10  }
0x35: {  	s10 =	sld [smem:$0x3FB9];
	_ =	sdelay $0x3  }
0x36: {  	p1 =	seq.s32 s10, $0x1;
	s10 =	sld [smem:$0x3FBA];
	_ =	sdelay $0x3  }
0x37: {  	[smem:$0x3FBA] =	sst s10  }
0x38: {  	s10 =	sld [smem:$0x3FBB]  }
0x39: {  	_ = 	snop;
	(pc) =	sbr.ind lr, $3  }
0x3a: {  	_ = 	snop  }
0x3b: {  	_ = 	snop  }
0x3c: {  	p2 =	seq.s32 s10, $0x1;
	s10 =	sld [smem:$0x3FBA]  }
0x3d: {  	_ =	shalt  }
0x3e: {  	_ =	shalt  }
0x3f: {  	_ =	shalt  }
0x40: {  	_ =	shalt  }
0x41: {  	_ =	shalt  }
0x42: {  	_ =	shalt  }
0x43: {  	_ =	shalt  }
0x44: {  	_ =	shalt  }
0x45: {  	_ =	shalt  }
0x46: {  	_ =	shalt  }
0x47: {  	_ =	shalt  }
0x48: {  	_ =	shalt  }
0x49: {  	_ =	shalt  }
0x4a: {  	_ =	shalt  }
0x4b: {  	_ =	shalt  }
0x4c: {  	_ =	shalt  }
0x4d: {  	_ =	shalt  }
0x4e: {  	_ =	shalt  }
0x4f: {  	_ =	shalt  }
0x50: {  	_ =	shalt  }
0x51: {  	_ =	shalt  }
0x52: {  	_ =	shalt  }
0x53: {  	_ =	shalt  }
0x54: {  	_ =	shalt  }
0x55: {  	_ =	shalt  }
0x56: {  	_ =	shalt  }
0x57: {  	_ =	shalt  }
0x58: {  	_ =	shalt  }
0x59: {  	_ =	shalt  }
0x5a: {  	_ =	shalt  }
0x5b: {  	_ =	shalt  }
0x5c: {  	_ =	shalt  }
0x5d: {  	_ =	shalt  }
0x5e: {  	_ =	shalt  }
0x5f: {  	_ =	shalt  }
0x60: {  	_ =	shalt  }
0x61: {  	_ =	shalt  }
0x62: {  	_ =	shalt  }
0x63: {  	_ =	shalt  }
0x64: {  	_ =	shalt  }
0x65: {  	_ =	shalt  }
0x66: {  	_ =	shalt  }
0x67: {  	_ =	shalt  }
0x68: {  	_ =	shalt  }
0x69: {  	_ =	shalt  }
0x6a: {  	_ =	shalt  }
0x6b: {  	_ =	shalt  }
0x6c: {  	_ =	shalt  }
0x6d: {  	_ =	shalt  }
0x6e: {  	_ =	shalt  }
0x6f: {  	_ =	shalt  }
0x70: {  	_ =	shalt  }
0x71: {  	_ =	shalt  }
0x72: {  	_ =	shalt  }
0x73: {  	_ =	shalt  }
0x74: {  	_ =	shalt  }
0x75: {  	_ =	shalt  }
0x76: {  	_ =	shalt  }
0x77: {  	_ =	shalt  }
0x78: {  	_ =	shalt  }
0x79: {  	_ =	shalt  }
0x7a: {  	_ =	shalt  }
0x7b: {  	_ =	shalt  }
0x7c: {  	_ =	shalt  }
0x7d: {  	_ =	shalt  }
0x7e: {  	_ =	shalt  }
0x7f: {  	_ =	shalt  }
0x80: {  	_ =	shalt  }
0x81: {  	_ =	shalt  }
0x82: {  	_ =	shalt  }
0x83: {  	_ =	shalt  }
0x84: {  	_ =	shalt  }
0x85: {  	_ =	shalt  }
0x86: {  	_ =	shalt  }
0x87: {  	_ =	shalt  }
.Lfunc_end0:
.L_simem_size_0:
called_computation.1_lowered:
.L_overlay_start_0:
0x88: {  	s2 =	sld [smem:$0x3FD9]  }
0x89: {  	s3 =	sld [smem:$0x3FFE];
	_ =	sdelay $0x1  }
0x8a: {  	s1 =	srdreg.scid  }
0x8b: {  	s0 =	sand.u32 $0x1, s1  }
0x8c: {  	s17 =	sshll.u32 s0, $0xA;
	s2 =	sadd.s32 s3, s2  }
0x8d: {  	s2 =	sadd.s32 s2, s17  }
0x8e: {  	[smem:$0x3FC6] =	sst s2  }
0x8f: {  	_ = 	snop  }
0x90: {  	s2 =	sld [smem:$0x3FD0];
	(tm) =	ssettm $0x1  }
0x91: {  	s18 =	sld [smem:$0x3FFB];
	_ =	sdelay $0x3  }
0x92: {  	_ =	strace s18  }
0x93: {  	s3 =	sld [smem:$0x3FFC];
	_ =	sdelay $0x3  }
0x94: {  	_ =	strace s3  }
0x95: {  	s3 =	sld [smem:$0x3FFD];
	_ =	sdelay $0x3  }
0x96: {  	_ =	strace s3  }
0x97: {  	_ =	strace $0x8FFFFFFF  }
0x98: {  	s19 =	sld [smem:$0x3FDB];
	_ =	sdelay $0x1  }
0x99: {  	s4 =	simm.s32 $_scs_section_size  }
0x9a: {  	s5 =	simm.s32 $_size__tile_overlayer_lowered;
	s6 =	simm.s32 $_tile_overlayer_lowered  }
0x9b: {  	s22 =	simm.s32 $0x1BFF;
	s21 =	sshll.u32 s6, $0x1;
	s3 =	sadd.s32 s4, s19  }
0x9c: {  	s7 =	simm.s32 $0x0;
	s20 =	sshll.u32 s5, $0x1;
	s5 =	sadd.s32 s21, s3  }
0x9d: {  	[timem:s7], [sflag:s22] =	dma.local [hbm:s5], s20  }
0x9e: {  	_ =	swait.ge [sflag:s22], s20  }
0x9f: {  	s4 =	ssub.s32 $0x0, s20;
	[sflag:s22] =	ssyncset.done $0x0  }
0xa0: {  	[sflag:s22] =	ssyncadd.s32 s4;
	_ =	sdelay $0x1  }
0xa1: {  	s23 =	simm.s32 $0x1B8B  }
0xa2: {  	_ =	swait.ge [sflag:s23], $0x1  }
0xa3: {  	[sflag:s23] =	ssyncset.done $0x0  }
0xa4: {  	s25 =	simm.s32 $0x1B8E;
	s24 =	sld [smem:$0x3FFE];
	[sflag:s23] =	ssyncadd.s32 $0xFFFFFFFF  }
0xa5: {  	s26 =	simm.s32 $execute0_lowered;
	[smem:$0x3FD2] =	sst s25  }
0xa6: {  	s5 =	sshll.u32 s26, $0x1;
	_ =	strace $0x80000046;
	[dreg:$0x1] =	wrdreg $0xFFFFFFFF  }
0xa7: {  	s28 =	simm.s32 $_size_execute0_lowered;
	s3 =	sadd.s32 s3, s5;
	[dreg:$0x0] =	wrdreg $0x0  }
0xa8: {  	s5 =	sshll.u32 s28, $0x1;
	[dreg:$0x2] =	wrdreg s3  }
0xa9: {  	[dreg:$0x3] =	wrdreg s5  }
0xaa: {  	[dreg:$0x4] =	wrdreg $0xC0  }
0xab: {  	_ =	task [dreg:s7], $0x5FFFF  }
0xac: {  	[dreg:$0x1] =	wrdreg $0xFFFFFFFF  }
0xad: {  	[dreg:$0x0] =	wrdreg $0x60  }
0xae: {  	[dreg:$0x2] =	wrdreg s24  }
0xaf: {  	[dreg:$0x3] =	wrdreg s2  }
0xb0: {  	[dreg:$0x4] =	wrdreg $0x9  }
0xb1: {  	_ =	task.clear_ibuf [dreg:s7], $0x5FFFF;
	_ =	strace $0x90000046  }
0xb2: {  	s29 =	simm.s32 $0x9;
	_ =	strace $0x80000048  }
0xb3: {  	_ =	swait.ge [sflag:s29], $0x1  }
0xb4: {  	[sflag:s29] =	ssyncadd.s32 $0xFFFFFFFF  }
0xb5: {  	_ =	strace $0x90000048  }
0xb6: {  	_ =	sfence  }
0xb7: {  	s30 =	sld [smem:$0x0];
	_ =	sdelay $0x2  }
0xb8: {  	s31 =	sshll.u32 s1, $0xD;
	s1 =	sshrl.u32 s1, $0x2  }
0xb9: {  	s3 =	sand.u32 $0x4000, s31;
	s1 =	sadd.s32 s1, s30  }
0xba: {  	s0 =	sor.u32 s3, s0;
	s1 =	sshll.u32 s1, $0x11  }
0xbb: {  	s0 =	sor.u32 s1, s0  }
0xbc: {  	s0 =	sadd.s32 $0x8F2B, s0  }
0xbd: {  	[sflag:s0] =	ssyncadd.remote.s32 $0x1  }
0xbe: {  	_ =	sfence.sel $0xFFFF  }
0xbf: {  	[dreg:$0x0] =	wrdreg $0xFFFFFFFF;
	(pc) =	sbr.abs _section_cstart, $3  }
0xc0: {  	[dreg:$0x1] =	wrdreg $0xFFFFFFFF  }
0xc1: {  	_ =	task.clear_ibuf [dreg:s7], $0x2FFFF;
	_ =	strace $0x9FFFFFFF  }
0xc2: {  	(tm) =	ssettm $0x7FFFFFFF  }
0xc3: {  	_ =	shalt  }
tec
execute0_lowered:
.L_overlay_start_1:
0x0: {  	(tag) =	ssettag $0x1  }
0x1: {  	s0 =	srdreg.scid;
	s1 =	rddreg [dreg:$0x0]  }
0x2: {  	s9 =	stileid.u32;
	s4 =	rddreg [dreg:$0x1];
	s15 =	simm.s32 $0xC8  }
0x3: {  	s28 =	simm.s32 $0xFA00;
	s30 =	simm.s32 $0x11300;
	s31 =	simm.s32 $0x1  }
0x4: {  	s29 =	simm.s32 $0x5;
	s10 =	simm.s32 $0x10;
	s0 =	sand.u32 $0x1, s0  }
0x5: {  	s12 =	simm.s32 $0x0;
	s2 =	sshll.u32 s9, $0x8;
	s3 =	sshll.u32 s0, $0x7  }
0x6: {  	s19 =	smul.u32 $0x32000, s9;
	s9 =	simm.s32 $0x8;
	s3 =	sor.u32 s3, s2  }
0x7: {  	s6 =	ssub.s32 $0x2, s0;
	s2 =	simm.s32 $0x0;
	s5 =	smul.u32 $0x19, s3  }
0x8: {  	s7 =	sshrl.u32 s6, $0x1;
	[smem:$0x7FF] =	sst s2;
	s3 =	smul.u32 $0x1900, s3  }
0x9: {  	s16 =	ssub.s32 s6, s7;
	_ =	strace $0x80000047;
	s5 =	sadd.s32 s5, s1  }
0xa: {  	s8 =	sshrl.u32 s3, $0x3;
	s3 =	sadd.s32 $0xF42E00, s1;
	s1 =	smax.u32 s16, $0x1  }
0xb: {  	s17 =	sadd.s32 s4, s8;
	s5 =	sadd.s32 $0xA00, s5;
	[dreg:$0xd] =	wrdreg s1  }
0xc: {  	s0 =	smul.u32 $0x19000, s0;
	[dreg:$0x4] =	wrdreg s5;
	s18 =	sadd.s32 $0x17700, s17  }
0xd: {  	s6 =	simm.s32 $0xE;
	s20 =	sadd.s32 $0x17A20, s17;
	[dreg:$0x5] =	wrdreg s18  }
0xe: {  	s7 =	simm.s32 $0x7;
	s21 =	sadd.s32 $0x17D40, s17;
	[dreg:$0x6] =	wrdreg s20  }
0xf: {  	s16 =	simm.s32 $0x6400;
	s22 =	sadd.s32 $0x18060, s17;
	[dreg:$0x7] =	wrdreg s21  }
0x10: {  	s4 =	sadd.s32 s19, s4;
	s23 =	sadd.s32 $0x18380, s17;
	[dreg:$0x8] =	wrdreg s22  }
0x11: {  	s19 =	simm.s32 $0x9600;
	s24 =	sadd.s32 $0x186A0, s17;
	[dreg:$0x9] =	wrdreg s23  }
0x12: {  	s1 =	simm.s32 $0x9;
	s25 =	sadd.s32 $0x189C0, s17;
	[dreg:$0xa] =	wrdreg s24  }
0x13: {  	s8 =	simm.s32 $0xF;
	s26 =	sadd.s32 $0x18CE0, s17;
	[dreg:$0xb] =	wrdreg s25  }
0x14: {  	s0 =	sadd.s32 s0, s4;
	s17 =	simm.s32 $0x7D00;
	[dreg:$0xc] =	wrdreg s26  }
0x15: {  	s4 =	simm.s32 $0xD;
	s5 =	simm.s32 $0x6;
	[dreg:$0x3] =	wrdreg s0  }
0x16: {  	s21 =	simm.s32 $0xAF00;
	s23 =	simm.s32 $0xC800;
	s25 =	simm.s32 $0xE100  }
0x17: {  	s0 =	simm.s32 $0x2;
	s18 =	simm.s32 $0xA;
	s20 =	simm.s32 $0x3  }
0x18: {  	s22 =	simm.s32 $0xB;
	s24 =	simm.s32 $0x4;
	s26 =	simm.s32 $0xC  }
.LBB2_1:
0x19: {  	[dreg:$0xe] =	wrdreg s12  }
0x1a: {  	s11 =	rddreg [dreg:$0x4];
	s13 =	simm.s32 $0x11  }
0x1b: {  	[tilespmem:s2], [sflag:$0x11] =	stream.linear.gather [hbm4b:s11+s2], $0x6400, $0x38;
	[tilespmem:$0x12C00] =	vst v63  }
0x1c: {  	_ =	swait.ge [sflag:s13], $0x6400  }
0x1d: {  	[sflag:s13] =	ssyncset.done $0x0  }
0x1e: {  	[sflag:s13] =	ssyncadd.s32 $0xFFFF9C00  }
0x1f: {  	[tilespmem:s16], [sflag:$0x1] =	stream.indirect.gather [hbm4b:s3+s15], $0x20, s2, s15, $0xb8;
	[tilespmem:$0x12C00] =	vst v63  }
0x20: {  	_ = 	snop  }
0x21: {  	[tilespmem:s17], [sflag:$0x2] =	stream.indirect.gather [hbm4b:s3+s15], $0x20, s15, s15, $0xb8;
	[tilespmem:$0x12C00] =	vst v63  }
0x22: {  	s14 =	simm.s32 $0x190  }
0x23: {  	[tilespmem:s19], [sflag:$0x3] =	stream.indirect.gather [hbm4b:s3+s15], $0x20, s14, s15, $0xb8;
	[tilespmem:$0x12C00] =	vst v63  }
0x24: {  	s12 =	simm.s32 $0x258  }
0x25: {  	[tilespmem:s21], [sflag:$0x4] =	stream.indirect.gather [hbm4b:s3+s15], $0x20, s12, s15, $0xb8;
	[tilespmem:$0x12C00] =	vst v63  }
0x26: {  	s13 =	simm.s32 $0x320  }
0x27: {  	[tilespmem:s23], [sflag:$0x5] =	stream.indirect.gather [hbm4b:s3+s15], $0x20, s13, s15, $0xb8;
	[tilespmem:$0x12C00] =	vst v63  }
0x28: {  	s14 =	simm.s32 $0x3E8  }
0x29: {  	[tilespmem:s25], [sflag:$0x6] =	stream.indirect.gather [hbm4b:s3+s15], $0x20, s14, s15, $0xb8;
	[tilespmem:$0x12C00] =	vst v63  }
0x2a: {  	s12 =	simm.s32 $0x4B0  }
0x2b: {  	[tilespmem:s28], [sflag:$0x7] =	stream.indirect.gather [hbm4b:s3+s15], $0x20, s12, s15, $0xb8;
	[tilespmem:$0x12C00] =	vst v63  }
0x2c: {  	s13 =	simm.s32 $0x578  }
0x2d: {  	[tilespmem:s30], [sflag:$0x8] =	stream.indirect.gather [hbm4b:s3+s15], $0x20, s13, s15, $0xb8;
	[tilespmem:$0x12C00] =	vst v63  }
0x2e: {  	_ =	swait.ge [sflag:s31], $0x1900  }
0x2f: {  	s14 =	rddreg [dreg:$0x3];
	[sflag:s31] =	ssyncset.done $0x0  }
0x30: {  	[sflag:s31] =	ssyncadd.s32 $0xFFFFE700;
	s12 =	sadd.s32 $0x0, s14  }
0x31: {  	[hbm4b:s12+s2] =	stream.linear.scatter [tilespmem:s16], [sflag:$0x9], $0x1900, $0x38;
	[tilespmem:$0x12C00] =	vst v63  }
0x32: {  	_ =	swait.ge [sflag:s1], $0x1900  }
0x33: {  	[sflag:s1] =	ssyncset.done $0x0  }
0x34: {  	s13 =	simm.s32 $0x640;
	[sflag:s1] =	ssyncadd.s32 $0xFFFFE700  }
0x35: {  	[tilespmem:s16], [sflag:$0x1] =	stream.indirect.gather [hbm4b:s3+s15], $0x20, s13, s15, $0xb8;
	[tilespmem:$0x12C00] =	vst v63  }
0x36: {  	_ =	swait.ge [sflag:s0], $0x1900  }
0x37: {  	[sflag:s0] =	ssyncset.done $0x0  }
0x38: {  	s11 =	sadd.s32 $0x320, s12;
	[sflag:s0] =	ssyncadd.s32 $0xFFFFE700  }
0x39: {  	[hbm4b:s11+s2] =	stream.linear.scatter [tilespmem:s17], [sflag:$0xA], $0x1900, $0x38;
	[tilespmem:$0x12C00] =	vst v63  }
0x3a: {  	_ =	swait.ge [sflag:s18], $0x1900  }
0x3b: {  	[sflag:s18] =	ssyncset.done $0x0  }
0x3c: {  	s14 =	simm.s32 $0x708;
	[sflag:s18] =	ssyncadd.s32 $0xFFFFE700  }
0x3d: {  	[tilespmem:s17], [sflag:$0x2] =	stream.indirect.gather [hbm4b:s3+s15], $0x20, s14, s15, $0xb8;
	[tilespmem:$0x12C00] =	vst v63  }
0x3e: {  	_ =	swait.ge [sflag:s20], $0x1900  }
0x3f: {  	[sflag:s20] =	ssyncset.done $0x0  }
0x40: {  	s11 =	sadd.s32 $0x640, s12;
	[sflag:s20] =	ssyncadd.s32 $0xFFFFE700  }
0x41: {  	[hbm4b:s11+s2] =	stream.linear.scatter [tilespmem:s19], [sflag:$0xB], $0x1900, $0x38;
	[tilespmem:$0x12C00] =	vst v63  }
0x42: {  	_ =	swait.ge [sflag:s22], $0x1900  }
0x43: {  	[sflag:s22] =	ssyncset.done $0x0  }
0x44: {  	s14 =	simm.s32 $0x7D0;
	[sflag:s22] =	ssyncadd.s32 $0xFFFFE700  }
0x45: {  	[tilespmem:s19], [sflag:$0x3] =	stream.indirect.gather [hbm4b:s3+s15], $0x20, s14, s15, $0xb8;
	[tilespmem:$0x12C00] =	vst v63  }
0x46: {  	_ =	swait.ge [sflag:s24], $0x1900  }
0x47: {  	[sflag:s24] =	ssyncset.done $0x0  }
0x48: {  	s11 =	sadd.s32 $0x960, s12;
	[sflag:s24] =	ssyncadd.s32 $0xFFFFE700  }
0x49: {  	[hbm4b:s11+s2] =	stream.linear.scatter [tilespmem:s21], [sflag:$0xC], $0x1900, $0x38;
	[tilespmem:$0x12C00] =	vst v63  }
0x4a: {  	_ =	swait.ge [sflag:s26], $0x1900  }
0x4b: {  	[sflag:s26] =	ssyncset.done $0x0  }
0x4c: {  	s14 =	simm.s32 $0x898;
	[sflag:s26] =	ssyncadd.s32 $0xFFFFE700  }
0x4d: {  	[tilespmem:s21], [sflag:$0x4] =	stream.indirect.gather [hbm4b:s3+s15], $0x20, s14, s15, $0xb8;
	[tilespmem:$0x12C00] =	vst v63  }
0x4e: {  	_ =	swait.ge [sflag:s29], $0x1900  }
0x4f: {  	[sflag:s29] =	ssyncset.done $0x0  }
0x50: {  	s11 =	sadd.s32 $0xC80, s12;
	[sflag:s29] =	ssyncadd.s32 $0xFFFFE700  }
0x51: {  	[hbm4b:s11+s2] =	stream.linear.scatter [tilespmem:s23], [sflag:$0xD], $0x1900, $0x38;
	[tilespmem:$0x12C00] =	vst v63  }
0x52: {  	_ =	swait.ge [sflag:s4], $0x1900  }
0x53: {  	[sflag:s4] =	ssyncset.done $0x0  }
0x54: {  	s14 =	simm.s32 $0x960;
	[sflag:s4] =	ssyncadd.s32 $0xFFFFE700  }
0x55: {  	[tilespmem:s23], [sflag:$0x5] =	stream.indirect.gather [hbm4b:s3+s15], $0x20, s14, s15, $0xb8;
	[tilespmem:$0x12C00] =	vst v63  }
0x56: {  	_ =	swait.ge [sflag:s5], $0x1900  }
0x57: {  	[sflag:s5] =	ssyncset.done $0x0  }
0x58: {  	s11 =	sadd.s32 $0xFA0, s12;
	[sflag:s5] =	ssyncadd.s32 $0xFFFFE700  }
0x59: {  	[hbm4b:s11+s2] =	stream.linear.scatter [tilespmem:s25], [sflag:$0xE], $0x1900, $0x38;
	[tilespmem:$0x12C00] =	vst v63  }
0x5a: {  	_ =	swait.ge [sflag:s6], $0x1900  }
0x5b: {  	[sflag:s6] =	ssyncset.done $0x0  }
0x5c: {  	s14 =	simm.s32 $0xA28;
	[sflag:s6] =	ssyncadd.s32 $0xFFFFE700  }
0x5d: {  	[tilespmem:s25], [sflag:$0x6] =	stream.indirect.gather [hbm4b:s3+s15], $0x20, s14, s15, $0xb8;
	[tilespmem:$0x12C00] =	vst v63  }
0x5e: {  	_ =	swait.ge [sflag:s7], $0x1900  }
0x5f: {  	[sflag:s7] =	ssyncset.done $0x0  }
0x60: {  	s11 =	sadd.s32 $0x12C0, s12;
	[sflag:s7] =	ssyncadd.s32 $0xFFFFE700  }
0x61: {  	[hbm4b:s11+s2] =	stream.linear.scatter [tilespmem:s28], [sflag:$0xF], $0x1900, $0x38;
	[tilespmem:$0x12C00] =	vst v63  }
0x62: {  	_ =	swait.ge [sflag:s8], $0x1900  }
0x63: {  	[sflag:s8] =	ssyncset.done $0x0  }
0x64: {  	s14 =	simm.s32 $0xAF0;
	[sflag:s8] =	ssyncadd.s32 $0xFFFFE700  }
0x65: {  	[tilespmem:s28], [sflag:$0x7] =	stream.indirect.gather [hbm4b:s3+s15], $0x20, s14, s15, $0xb8;
	[tilespmem:$0x12C00] =	vst v63  }
0x66: {  	_ =	swait.ge [sflag:s9], $0x1900  }
0x67: {  	[sflag:s9] =	ssyncset.done $0x0  }
0x68: {  	s12 =	sadd.s32 $0x15E0, s12;
	[sflag:s9] =	ssyncadd.s32 $0xFFFFE700  }
0x69: {  	[hbm4b:s12+s2] =	stream.linear.scatter [tilespmem:s30], [sflag:$0x10], $0x1900, $0x38;
	[tilespmem:$0x12C00] =	vst v63  }
0x6a: {  	_ =	swait.ge [sflag:s10], $0x1900  }
0x6b: {  	[sflag:s10] =	ssyncset.done $0x0  }
0x6c: {  	s13 =	simm.s32 $0xBB8;
	s12 =	simm.s32 $0x1900;
	[sflag:s10] =	ssyncadd.s32 $0xFFFFE700  }
.LBB2_2:
0x6d: {  	[tilespmem:s30], [sflag:$0x8] =	stream.indirect.gather [hbm4b:s3+s15], $0x20, s13, s15, $0xb8;
	[tilespmem:$0x12C00] =	vst v63  }
0x6e: {  	_ =	swait.ge [sflag:s31], $0x1900  }
0x6f: {  	s11 =	smov.u32 s12;
	s14 =	rddreg [dreg:$0x3];
	[sflag:s31] =	ssyncset.done $0x0  }
0x70: {  	[sflag:s31] =	ssyncadd.s32 $0xFFFFE700;
	s14 =	sadd.s32 s11, s14  }
0x71: {  	[hbm4b:s14+s2] =	stream.linear.scatter [tilespmem:s16], [sflag:$0x9], $0x1900, $0x38;
	[tilespmem:$0x12C00] =	vst v63  }
0x72: {  	_ =	swait.ge [sflag:s1], $0x1900  }
0x73: {  	s13 =	sshra.s32 s11, $0x2;
	[sflag:s1] =	ssyncset.done $0x0  }
0x74: {  	s11 =	sadd.s32 $0x640, s13;
	[sflag:s1] =	ssyncadd.s32 $0xFFFFE700  }
0x75: {  	[tilespmem:s16], [sflag:$0x1] =	stream.indirect.gather [hbm4b:s3+s15], $0x20, s11, s15, $0xb8;
	[tilespmem:$0x12C00] =	vst v63  }
0x76: {  	_ =	swait.ge [sflag:s0], $0x1900  }
0x77: {  	[sflag:s0] =	ssyncset.done $0x0  }
0x78: {  	s11 =	sadd.s32 $0x320, s14;
	[sflag:s0] =	ssyncadd.s32 $0xFFFFE700  }
0x79: {  	[hbm4b:s11+s2] =	stream.linear.scatter [tilespmem:s17], [sflag:$0xA], $0x1900, $0x38;
	[tilespmem:$0x12C00] =	vst v63  }
0x7a: {  	_ =	swait.ge [sflag:s18], $0x1900  }
0x7b: {  	[sflag:s18] =	ssyncset.done $0x0  }
0x7c: {  	s11 =	sadd.s32 $0x708, s13;
	[sflag:s18] =	ssyncadd.s32 $0xFFFFE700  }
0x7d: {  	[tilespmem:s17], [sflag:$0x2] =	stream.indirect.gather [hbm4b:s3+s15], $0x20, s11, s15, $0xb8;
	[tilespmem:$0x12C00] =	vst v63  }
0x7e: {  	_ =	swait.ge [sflag:s20], $0x1900  }
0x7f: {  	[sflag:s20] =	ssyncset.done $0x0  }
0x80: {  	s11 =	sadd.s32 $0x640, s14;
	[sflag:s20] =	ssyncadd.s32 $0xFFFFE700  }
0x81: {  	[hbm4b:s11+s2] =	stream.linear.scatter [tilespmem:s19], [sflag:$0xB], $0x1900, $0x38;
	[tilespmem:$0x12C00] =	vst v63  }
0x82: {  	_ =	swait.ge [sflag:s22], $0x1900  }
0x83: {  	[sflag:s22] =	ssyncset.done $0x0  }
0x84: {  	s11 =	sadd.s32 $0x7D0, s13;
	[sflag:s22] =	ssyncadd.s32 $0xFFFFE700  }
0x85: {  	[tilespmem:s19], [sflag:$0x3] =	stream.indirect.gather [hbm4b:s3+s15], $0x20, s11, s15, $0xb8;
	[tilespmem:$0x12C00] =	vst v63  }
0x86: {  	_ =	swait.ge [sflag:s24], $0x1900  }
0x87: {  	[sflag:s24] =	ssyncset.done $0x0  }
0x88: {  	s11 =	sadd.s32 $0x960, s14;
	[sflag:s24] =	ssyncadd.s32 $0xFFFFE700  }
0x89: {  	[hbm4b:s11+s2] =	stream.linear.scatter [tilespmem:s21], [sflag:$0xC], $0x1900, $0x38;
	[tilespmem:$0x12C00] =	vst v63  }
0x8a: {  	_ =	swait.ge [sflag:s26], $0x1900  }
0x8b: {  	[sflag:s26] =	ssyncset.done $0x0  }
0x8c: {  	s11 =	sadd.s32 $0x898, s13;
	[sflag:s26] =	ssyncadd.s32 $0xFFFFE700  }
0x8d: {  	[tilespmem:s21], [sflag:$0x4] =	stream.indirect.gather [hbm4b:s3+s15], $0x20, s11, s15, $0xb8;
	[tilespmem:$0x12C00] =	vst v63  }
0x8e: {  	_ =	swait.ge [sflag:s29], $0x1900  }
0x8f: {  	[sflag:s29] =	ssyncset.done $0x0  }
0x90: {  	s11 =	sadd.s32 $0xC80, s14;
	[sflag:s29] =	ssyncadd.s32 $0xFFFFE700  }
0x91: {  	[hbm4b:s11+s2] =	stream.linear.scatter [tilespmem:s23], [sflag:$0xD], $0x1900, $0x38;
	[tilespmem:$0x12C00] =	vst v63  }
0x92: {  	_ =	swait.ge [sflag:s4], $0x1900  }
0x93: {  	[sflag:s4] =	ssyncset.done $0x0  }
0x94: {  	s11 =	sadd.s32 $0x960, s13;
	[sflag:s4] =	ssyncadd.s32 $0xFFFFE700  }
0x95: {  	[tilespmem:s23], [sflag:$0x5] =	stream.indirect.gather [hbm4b:s3+s15], $0x20, s11, s15, $0xb8;
	[tilespmem:$0x12C00] =	vst v63  }
0x96: {  	_ =	swait.ge [sflag:s5], $0x1900  }
0x97: {  	[sflag:s5] =	ssyncset.done $0x0  }
0x98: {  	s11 =	sadd.s32 $0xFA0, s14;
	[sflag:s5] =	ssyncadd.s32 $0xFFFFE700  }
0x99: {  	[hbm4b:s11+s2] =	stream.linear.scatter [tilespmem:s25], [sflag:$0xE], $0x1900, $0x38;
	[tilespmem:$0x12C00] =	vst v63  }
0x9a: {  	_ =	swait.ge [sflag:s6], $0x1900  }
0x9b: {  	[sflag:s6] =	ssyncset.done $0x0  }
0x9c: {  	s11 =	sadd.s32 $0xA28, s13;
	[sflag:s6] =	ssyncadd.s32 $0xFFFFE700  }
0x9d: {  	[tilespmem:s25], [sflag:$0x6] =	stream.indirect.gather [hbm4b:s3+s15], $0x20, s11, s15, $0xb8;
	[tilespmem:$0x12C00] =	vst v63  }
0x9e: {  	_ =	swait.ge [sflag:s7], $0x1900  }
0x9f: {  	[sflag:s7] =	ssyncset.done $0x0  }
0xa0: {  	s11 =	sadd.s32 $0x12C0, s14;
	[sflag:s7] =	ssyncadd.s32 $0xFFFFE700  }
0xa1: {  	[hbm4b:s11+s2] =	stream.linear.scatter [tilespmem:s28], [sflag:$0xF], $0x1900, $0x38;
	[tilespmem:$0x12C00] =	vst v63  }
0xa2: {  	_ =	swait.ge [sflag:s8], $0x1900  }
0xa3: {  	[sflag:s8] =	ssyncset.done $0x0  }
0xa4: {  	s11 =	sadd.s32 $0xAF0, s13;
	[sflag:s8] =	ssyncadd.s32 $0xFFFFE700  }
0xa5: {  	[tilespmem:s28], [sflag:$0x7] =	stream.indirect.gather [hbm4b:s3+s15], $0x20, s11, s15, $0xb8;
	[tilespmem:$0x12C00] =	vst v63  }
0xa6: {  	_ =	swait.ge [sflag:s9], $0x1900  }
0xa7: {  	p0 =	sne.s32 s12, $0x15E00;
	[sflag:s9] =	ssyncset.done $0x0  }
.Ltmp0:
0xa8: {  	s14 =	sadd.s32 $0x15E0, s14;
	[sflag:s9] =	ssyncadd.s32 $0xFFFFE700;
	(pc) =	sbr.rel @p0 .LBB2_2-.Ltmp0, $4  }
0xa9: {  	[hbm4b:s14+s2] =	stream.linear.scatter [tilespmem:s30], [sflag:$0x10], $0x1900, $0x38;
	[tilespmem:$0x12C00] =	vst v63  }
0xaa: {  	_ =	swait.ge [sflag:s10], $0x1900  }
0xab: {  	[sflag:s10] =	ssyncset.done $0x0  }
0xac: {  	s12 =	sadd.s32 $0x1900, s12;
	s13 =	sadd.s32 $0xBB8, s13;
	[sflag:s10] =	ssyncadd.s32 $0xFFFFE700  }
0xad: {  	[tilespmem:s30], [sflag:$0x8] =	stream.indirect.gather [hbm4b:s3+s15], $0x20, s13, s15, $0xb8;
	[tilespmem:$0x12C00] =	vst v63  }
0xae: {  	_ =	swait.ge [sflag:s31], $0x1900  }
0xaf: {  	[sflag:s31] =	ssyncset.done $0x0  }
0xb0: {  	s11 =	rddreg [dreg:$0x5];
	[sflag:s31] =	ssyncadd.s32 $0xFFFFE700  }
0xb1: {  	[hbm4b:s11+s2] =	stream.linear.scatter [tilespmem:s16], [sflag:$0x9], $0x1900, $0x38;
	[tilespmem:$0x12C00] =	vst v63  }
0xb2: {  	_ =	swait.ge [sflag:s0], $0x1900  }
0xb3: {  	[sflag:s0] =	ssyncset.done $0x0  }
0xb4: {  	s13 =	rddreg [dreg:$0x6];
	[sflag:s0] =	ssyncadd.s32 $0xFFFFE700  }
0xb5: {  	[hbm4b:s13+s2] =	stream.linear.scatter [tilespmem:s17], [sflag:$0xA], $0x1900, $0x38;
	[tilespmem:$0x12C00] =	vst v63  }
0xb6: {  	_ =	swait.ge [sflag:s20], $0x1900  }
0xb7: {  	[sflag:s20] =	ssyncset.done $0x0  }
0xb8: {  	s14 =	rddreg [dreg:$0x7];
	[sflag:s20] =	ssyncadd.s32 $0xFFFFE700  }
0xb9: {  	[hbm4b:s14+s2] =	stream.linear.scatter [tilespmem:s19], [sflag:$0xB], $0x1900, $0x38;
	[tilespmem:$0x12C00] =	vst v63  }
0xba: {  	_ =	swait.ge [sflag:s24], $0x1900  }
0xbb: {  	[sflag:s24] =	ssyncset.done $0x0  }
0xbc: {  	s12 =	rddreg [dreg:$0x8];
	[sflag:s24] =	ssyncadd.s32 $0xFFFFE700  }
0xbd: {  	[hbm4b:s12+s2] =	stream.linear.scatter [tilespmem:s21], [sflag:$0xC], $0x1900, $0x38;
	[tilespmem:$0x12C00] =	vst v63  }
0xbe: {  	_ =	swait.ge [sflag:s29], $0x1900  }
0xbf: {  	[sflag:s29] =	ssyncset.done $0x0  }
0xc0: {  	s13 =	rddreg [dreg:$0x9];
	[sflag:s29] =	ssyncadd.s32 $0xFFFFE700  }
0xc1: {  	[hbm4b:s13+s2] =	stream.linear.scatter [tilespmem:s23], [sflag:$0xD], $0x1900, $0x38;
	[tilespmem:$0x12C00] =	vst v63  }
0xc2: {  	_ =	swait.ge [sflag:s5], $0x1900  }
0xc3: {  	[sflag:s5] =	ssyncset.done $0x0  }
0xc4: {  	s14 =	rddreg [dreg:$0xa];
	[sflag:s5] =	ssyncadd.s32 $0xFFFFE700  }
0xc5: {  	[hbm4b:s14+s2] =	stream.linear.scatter [tilespmem:s25], [sflag:$0xE], $0x1900, $0x38;
	[tilespmem:$0x12C00] =	vst v63  }
0xc6: {  	_ =	swait.ge [sflag:s7], $0x1900  }
0xc7: {  	[sflag:s7] =	ssyncset.done $0x0  }
0xc8: {  	s12 =	rddreg [dreg:$0xb];
	[sflag:s7] =	ssyncadd.s32 $0xFFFFE700  }
0xc9: {  	[hbm4b:s12+s2] =	stream.linear.scatter [tilespmem:s28], [sflag:$0xF], $0x1900, $0x38;
	[tilespmem:$0x12C00] =	vst v63  }
0xca: {  	_ =	swait.ge [sflag:s9], $0x1900  }
0xcb: {  	[sflag:s9] =	ssyncset.done $0x0  }
0xcc: {  	s13 =	rddreg [dreg:$0xc];
	[sflag:s9] =	ssyncadd.s32 $0xFFFFE700  }
0xcd: {  	[hbm4b:s13+s2] =	stream.linear.scatter [tilespmem:s30], [sflag:$0x10], $0x1900, $0x38;
	[tilespmem:$0x12C00] =	vst v63  }
0xce: {  	_ =	swait.ge [sflag:s1], $0x1900  }
0xcf: {  	[sflag:s1] =	ssyncset.done $0x0  }
0xd0: {  	[sflag:s1] =	ssyncadd.s32 $0xFFFFE700  }
0xd1: {  	_ =	swait.ge [sflag:s18], $0x1900  }
0xd2: {  	[sflag:s18] =	ssyncset.done $0x0  }
0xd3: {  	[sflag:s18] =	ssyncadd.s32 $0xFFFFE700  }
0xd4: {  	_ =	swait.ge [sflag:s22], $0x1900  }
0xd5: {  	[sflag:s22] =	ssyncset.done $0x0  }
0xd6: {  	[sflag:s22] =	ssyncadd.s32 $0xFFFFE700  }
0xd7: {  	_ =	swait.ge [sflag:s26], $0x1900  }
0xd8: {  	[sflag:s26] =	ssyncset.done $0x0  }
0xd9: {  	[sflag:s26] =	ssyncadd.s32 $0xFFFFE700  }
0xda: {  	_ =	swait.ge [sflag:s4], $0x1900  }
0xdb: {  	[sflag:s4] =	ssyncset.done $0x0  }
0xdc: {  	[sflag:s4] =	ssyncadd.s32 $0xFFFFE700  }
0xdd: {  	_ =	swait.ge [sflag:s6], $0x1900  }
0xde: {  	[sflag:s6] =	ssyncset.done $0x0  }
0xdf: {  	[sflag:s6] =	ssyncadd.s32 $0xFFFFE700  }
0xe0: {  	_ =	swait.ge [sflag:s8], $0x1900  }
0xe1: {  	[sflag:s8] =	ssyncset.done $0x0  }
0xe2: {  	[sflag:s8] =	ssyncadd.s32 $0xFFFFE700  }
0xe3: {  	_ =	swait.ge [sflag:s10], $0x1900  }
0xe4: {  	s12 =	rddreg [dreg:$0xe]  }
0xe5: {  	s14 =	rddreg [dreg:$0xd];
	s12 =	sadd.s32 $0x1, s12  }
0xe6: {  	p0 =	sne.s32 s12, s14  }
.Ltmp1:
0xe7: {  	_ = 	snop;
	(pc) =	sbr.rel @p0 .LBB2_1-.Ltmp1, $3  }
0xe8: {  	_ =	sdelay $0x1  }
0xe9: {  	[sflag:s10] =	ssyncset.done $0x0  }
0xea: {  	[sflag:s10] =	ssyncadd.s32 $0xFFFFE700  }
0xeb: {  	_ =	sfence.sel $0x180000  }
0xec: {  	[bflag:$0x0] =	sbarrier.arrive $0xFFFF  }
0xed: {  	_ =	strace $0x90000047  }
0xee: {  	s0 =	stileid.u32;
	[bflag:$0x2] =	sbarrier.arrive $0xFFFF  }
0xef: {  	p0 =	sne.s32 s0, $0x0;
	s0 =	rddreg [dreg:$0x2]  }
0xf0: {  	s0 =	sadd.s32 @!p0 $0x100000, s0  }
0xf1: {  	[sflag:s0] =	ssyncadd.tile.s32 @!p0 $0x1;
	_ =	shalt  }
.Lfunc_end2:
_tile_overlayer_lowered:
.L_overlay_start_2:
0xf2: {  	(tag) =	ssettag $0x2  }
0xf3: {  	s0 =	rddreg [dreg:$0x0];
	s2 =	stileid.u32  }
0xf4: {  	s1 =	rddreg [dreg:$0x1];
	p0 =	sne.s32 s2, $0x0  }
0xf5: {  	s3 =	rddreg [dreg:$0x2];
	[bflag:$0x3] =	sbarrier.arrive $0xFFFF;
	s2 =	simm.s32 @!p0 $0x1C11  }
0xf6: {  	[timem:s3], [sflag:s2] =	dma.local @!p0 [hbm:s0], s1  }
0xf7: {  	s0 =	simm.s32 @!p0 $0x11  }
0xf8: {  	_ =	swait.ge @!p0 [sflag:s0], s1  }
0xf9: {  	s1 =	ssub.s32 @!p0 $0x0, s1;
	[sflag:s0] =	ssyncset.done @!p0 $0x0  }
0xfa: {  	[sflag:s0] =	ssyncadd.s32 @!p0 s1  }
0xfb: {  	[bflag:$0x3] =	sbarrier.arrive $0xFFFF  }
0xfc: {  	_ =	shalt  }

// kernel: sparse-core-data-format-call.cloned.1.call-start
scs
called_computation_lowered:
.L_overlay_start_0:
0x0: {  	s2 =	sld [smem:$0x3FD9]  }
0x1: {  	s3 =	sld [smem:$0x3FFE];
	_ =	sdelay $0x1  }
0x2: {  	s1 =	srdreg.scid  }
0x3: {  	s0 =	sand.u32 $0x1, s1  }
0x4: {  	s18 =	sshll.u32 s0, $0xA;
	s2 =	sadd.s32 s3, s2  }
0x5: {  	s2 =	sadd.s32 s2, s18  }
0x6: {  	[smem:$0x3FC6] =	sst s2  }
0x7: {  	_ = 	snop  }
0x8: {  	s2 =	sld [smem:$0x3FD0];
	(tm) =	ssettm $0x1  }
0x9: {  	s19 =	sld [smem:$0x3FFB];
	_ =	sdelay $0x3  }
0xa: {  	_ =	strace s19  }
0xb: {  	s3 =	sld [smem:$0x3FFC];
	_ =	sdelay $0x3  }
0xc: {  	_ =	strace s3  }
0xd: {  	s3 =	sld [smem:$0x3FFD];
	_ =	sdelay $0x3  }
0xe: {  	_ =	strace s3  }
0xf: {  	_ =	strace $0x8FFFFFFF  }
0x10: {  	s20 =	sld [smem:$0x3FDB];
	_ =	sdelay $0x1  }
0x11: {  	s4 =	simm.s32 $_scs_section_size  }
0x12: {  	s5 =	simm.s32 $_size__tile_overlayer_lowered;
	s6 =	simm.s32 $_tile_overlayer_lowered  }
0x13: {  	s23 =	simm.s32 $0x1BFF;
	s22 =	sshll.u32 s6, $0x1;
	s3 =	sadd.s32 s4, s20  }
0x14: {  	s7 =	simm.s32 $0x0;
	s21 =	sshll.u32 s5, $0x1;
	s5 =	sadd.s32 s22, s3  }
0x15: {  	[timem:s7], [sflag:s23] =	dma.local [hbm:s5], s21  }
0x16: {  	_ =	swait.ge [sflag:s23], s21  }
0x17: {  	s4 =	ssub.s32 $0x0, s21;
	[sflag:s23] =	ssyncset.done $0x0  }
0x18: {  	[sflag:s23] =	ssyncadd.s32 s4;
	_ =	sdelay $0x1  }
0x19: {  	s24 =	simm.s32 $0x1B8B  }
0x1a: {  	_ =	swait.ge [sflag:s24], $0x1  }
0x1b: {  	[sflag:s24] =	ssyncset.done $0x0  }
0x1c: {  	s26 =	simm.s32 $0x1B8E;
	s25 =	sld [smem:$0x3FFE];
	[sflag:s24] =	ssyncadd.s32 $0xFFFFFFFF  }
0x1d: {  	s27 =	simm.s32 $execute0_lowered;
	[smem:$0x3FD2] =	sst s26  }
0x1e: {  	s5 =	sshll.u32 s27, $0x1;
	_ =	strace $0x80000049;
	[dreg:$0x1] =	wrdreg $0xFFFFFFFF  }
0x1f: {  	s28 =	simm.s32 $_size_execute0_lowered;
	s3 =	sadd.s32 s3, s5;
	[dreg:$0x0] =	wrdreg $0x0  }
0x20: {  	s5 =	sshll.u32 s28, $0x1;
	[dreg:$0x2] =	wrdreg s3  }
0x21: {  	[dreg:$0x3] =	wrdreg s5  }
0x22: {  	[dreg:$0x4] =	wrdreg $0xC0  }
0x23: {  	_ =	task [dreg:s7], $0x5FFFF  }
0x24: {  	[dreg:$0x1] =	wrdreg $0xFFFFFFFF  }
0x25: {  	[dreg:$0x0] =	wrdreg $0x60  }
0x26: {  	[dreg:$0x2] =	wrdreg s25  }
0x27: {  	[dreg:$0x3] =	wrdreg s2  }
0x28: {  	[dreg:$0x4] =	wrdreg $0x9  }
0x29: {  	_ =	task.clear_ibuf [dreg:s7], $0x5FFFF;
	_ =	strace $0x90000049  }
0x2a: {  	s29 =	simm.s32 $0x9;
	_ =	strace $0x8000004B  }
0x2b: {  	_ =	swait.ge [sflag:s29], $0x1  }
0x2c: {  	[sflag:s29] =	ssyncadd.s32 $0xFFFFFFFF  }
0x2d: {  	_ =	strace $0x9000004B  }
0x2e: {  	_ =	sfence  }
0x2f: {  	s30 =	sld [smem:$0x0];
	_ =	sdelay $0x2  }
0x30: {  	s31 =	sshll.u32 s1, $0xD;
	s1 =	sshrl.u32 s1, $0x2  }
0x31: {  	s3 =	sand.u32 $0x4000, s31;
	s1 =	sadd.s32 s1, s30  }
0x32: {  	s0 =	sor.u32 s3, s0;
	s1 =	sshll.u32 s1, $0x11  }
0x33: {  	s0 =	sor.u32 s1, s0  }
0x34: {  	s0 =	sadd.s32 $0x8F2B, s0  }
0x35: {  	[sflag:s0] =	ssyncadd.remote.s32 $0x1  }
0x36: {  	_ =	sfence.sel $0xFFFF  }
0x37: {  	[dreg:$0x0] =	wrdreg $0xFFFFFFFF;
	(pc) =	sbr.abs _section_cstart, $3  }
0x38: {  	[dreg:$0x1] =	wrdreg $0xFFFFFFFF  }
0x39: {  	_ =	task.clear_ibuf [dreg:s7], $0x2FFFF;
	_ =	strace $0x9FFFFFFF  }
0x3a: {  	(tm) =	ssettm $0x7FFFFFFF  }
0x3b: {  	_ =	shalt  }
tec
execute0_lowered:
.L_overlay_start_1:
0x0: {  	(tag) =	ssettag $0x1  }
0x1: {  	s0 =	srdreg.scid  }
0x2: {  	s1 =	sshll.u32 s0, $0x4  }
0x3: {  	s0 =	stileid.u32;
	s1 =	sand.u32 $0x10, s1  }
0x4: {  	s1 =	sor.u32 s0, s1  }
0x5: {  	s6 =	rddreg [dreg:$0x0];
	s4 =	simm.s32 $0x1;
	s2 =	sshll.u32 s1, $0x7  }
0x6: {  	s7 =	simm.s32 $0x2;
	s12 =	simm.s32 $0x0;
	s1 =	ssub.s32 $0x1000, s2  }
0x7: {  	s8 =	simm.s32 $0x8000;
	s13 =	simm.s32 $0x0;
	s3 =	sand.u32 $0xF80, s1  }
0x8: {  	s9 =	simm.s32 $0x0;
	s5 =	sshrl.u32 s1, $0xC;
	p0 =	sne.s32 s3, $0x0  }
.Ltmp0:
0x9: {  	s1 =	rddreg [dreg:$0x2];
	s4 =	simm.s32 @!p0 $0x0;
	(pc) =	sbr.rel .LBB1_1-.Ltmp0, $4  }
0xa: {  	s11 =	simm.s32 $0x0;
	s3 =	rddreg [dreg:$0x1];
	s5 =	sadd.s32 s4, s5  }
0xb: {  	_ =	strace $0x8000004A;
	s4 =	simm.s32 $0x1;
	s5 =	smul.u32 $0xC8, s5  }
0xc: {  	s6 =	sadd.s32 $0xA00, s6;
	s10 =	smov.u32 s2;
	[sflag:s4] =	ssyncpa.u1 $0x0  }
0xd: {  	p0 =	por $0x0, $0x0;
	[sflag:s7] =	ssyncpa.u1 $0x0;
	s7 =	sor.u32 $0x1, s5  }
.LBB1_4:
0xe: {  	s16 =	sshll.u32 s13, $0x3;
	s17 =	sand.u32 $0x78, s13  }
0xf: {  	s30 =	sand.u32 $0x3E00, s13;
	s12 =	sshll.u32 s12, $0xE;
	s16 =	sand.u32 $0xC00, s16  }
0x10: {  	s31 =	sand.u32 $0x7, s13;
	s16 =	sor.u32 s17, s16;
	s17 =	sadd.s32 s3, s30  }
0x11: {  	s13 =	sshll.u32 s31, $0x12;
	s16 =	sshrl.u32 s16, $0x3;
	s12 =	sadd.s32 s12, s17  }
0x12: {  	[tilespmem:s15+$0x0 ss:$0x81] =	vst.msk $0xffff, v0;
	s13 =	sor.u32 $0x400, s13;
	s12 =	sadd.s32 s16, s12  }
0x13: {  	[hbm4b:s12+s13] =	stream.strided.scatter [tilespmem:s14], [sflag:$0x2], $0x1000, s8, s13, $0x20;
	[tilespmem:$0x4040] =	vst v63  }
.LBB1_5:
0x14: {  	s14 =	sadd.s32 $0x1, s9  }
0x15: {  	s12 =	sadd.s32 $0x1000, s10;
	s16 =	smov.u32 s10;
	p2 =	sgt.s32 s14, $0xC7  }
0x16: {  	s16 =	smov.u32 @p2 s12  }
0x17: {  	s14 =	simm.s32 @p2 $0x0;
	p2 =	sgt.s32 s16, $0xFFF  }
0x18: {  	s16 =	smov.u32 @p2 s2;
	p2 =	sne.s32 s11, s7  }
.Ltmp1:
0x19: {  	p1 =	slt.u32 s11, $0x2;
	(pc) =	sbr.rel @!p2 .LBB1_6-.Ltmp1, $4  }
0x1a: {  	s15 =	simm.s32 @!p1 $0x2  }
0x1b: {  	s13 =	smov.u32 s10;
	p0 =	por !p0, !p0;
	_ =	swait.ge @!p1 [sflag:s15], $0x1000  }
0x1c: {  	s12 =	smov.u32 s9;
	[sflag:s15] =	ssyncset.done @!p1 $0x0;
	s9 =	smov.u32 s14  }
0x1d: {  	s11 =	sadd.s32 $0x1, s11;
	[sflag:s15] =	ssyncadd.s32 @!p1 $0xFFFFF000;
	s10 =	smov.u32 s16  }
.LBB1_1:
0x1e: {  	p1 =	sge.u32 s11, s5  }
0x1f: {  	s14 =	sand.u32 @!p1 $0x1FFFFFF, s9  }
0x20: {  	s15 =	smulhi.u32 @!p1 $0x147AE15, s14;
	_ =	sdelay $0x1  }
0x21: {  	s15 =	smul.u32 @!p1 $0xC8, s15  }
0x22: {  	s16 =	sxor.u32 @!p1 $0xFFFFFFFF, s11;
	s17 =	smul.u32 @!p1 $0xC80, s10  }
0x23: {  	s31 =	sadd.s32 $0xFFFFFFFF, s11;
	s16 =	sshll.u32 @!p1 s16, $0xC;
	s14 =	ssub.s32 @!p1 s14, s15  }
0x24: {  	s15 =	sand.u32 @!p1 $0x1000, s16;
	s16 =	sadd.s32 @!p1 s6, s17;
	s14 =	sshll.u32 @!p1 s14, $0x4  }
0x25: {  	s17 =	simm.s32 @!p1 $0x6400;
	s14 =	sadd.s32 @!p1 s14, s16;
	s16 =	simm.s32 @!p1 $0x20  }
0x26: {  	[tilespmem:s15], [sflag:$0x1] =	stream.strided.gather @!p1 [hbm4b:s14+s16], $0x1000, s17, s16, $0x38;
	[tilespmem:$0x4040] =	vst v63  }
0x27: {  	p1 =	sge.u32 s31, s5  }
.Ltmp2:
0x28: {  	_ = 	snop;
	(pc) =	sbr.rel @p1 .LBB1_5-.Ltmp2, $1  }
0x29: {  	_ =	sdelay $0x3  }
0x2a: {  	s14 =	simm.s32 $0x1  }
0x2b: {  	_ =	swait.ge [sflag:s4], $0x1000;
	s14 =	simm.s32 @!p0 $0x0  }
0x2c: {  	[sflag:s4] =	ssyncset.done $0x0;
	s15 =	sshll.u32 s14, $0xC  }
0x2d: {  	[sflag:s4] =	ssyncadd.s32 $0xFFFFF000;
	s18 =	sor.u32 $0x10, s15  }
0x2e: {  	s14 =	smul.u32 $0x4080, s14;
	v1 =	vld [tilespmem:s18+$0x0]  }
0x2f: {  	s30 =	sand.u32 $0x1, s11;
	v0 =	vld [tilespmem:s18+$0xFFFFFFF0]  }
0x30: {  	s15 =	smul.u32 $0x4080, s30;
	s14 =	sshrl.u32 s14, $0x2  }
0x31: {  	s16 =	sor.u32 $0x2000, s14  }
0x32: {  	s31 =	sshrl.u32 s15, $0x2;
	s15 =	sadd.s32 $0x0, s16  }
0x33: {  	s17 =	simm.s32 $0x4;
	s18 =	sadd.s32 $0x20, s18;
	s14 =	sor.u32 $0x2000, s31;
	[tilespmem:s15+$0x810 ss:$0x81] =	vst.msk $0xffff, v1  }
.LBB1_3:
0x34: {  	v1 =	vld [tilespmem:s18+$0x0];
	p1 =	sne.s32 s17, $0x1FC;
	[tilespmem:s15+$0x0 ss:$0x81] =	vst.msk $0xffff, v0;
	s15 =	smov.u32 s17;
	s17 =	sadd.s32 $0x4, s17  }
.Ltmp3:
0x35: {  	v0 =	vld [tilespmem:s18+$0xFFFFFFF0];
	(pc) =	sbr.rel @p1 .LBB1_3-.Ltmp3, $4  }
0x36: {  	_ = 	snop  }
0x37: {  	s15 =	sshra.s32 s15, $0x2  }
0x38: {  	s15 =	sadd.s32 s15, s16  }
0x39: {  	s18 =	sadd.s32 $0x20, s18;
	[tilespmem:s15+$0x810 ss:$0x81] =	vst.msk $0xffff, v1  }
.Ltmp4:
0x3a: {  	_ = 	snop;
	(pc) =	sbr.rel .LBB1_4-.Ltmp4, $1  }
0x3b: {  	_ =	sdelay $0x3  }
.LBB1_6:
0x3c: {  	_ =	sfence.sel $0x180000  }
0x3d: {  	s2 =	simm.s32 $0x1;
	[bflag:$0x0] =	sbarrier.arrive $0xFFFF  }
0x3e: {  	s31 =	simm.s32 $0x2;
	[sflag:s2] =	ssyncpa.u1 $0x1  }
0x3f: {  	[sflag:s31] =	ssyncpa.u1 $0x1  }
0x40: {  	p0 =	sne.s32 s0, $0x0;
	_ =	strace $0x9000004A  }
0x41: {  	s0 =	sadd.s32 @!p0 $0x100000, s1;
	[bflag:$0x2] =	sbarrier.arrive $0xFFFF  }
0x42: {  	[sflag:s0] =	ssyncadd.tile.s32 @!p0 $0x1;
	_ =	shalt  }
.Lfunc_end1:
_tile_overlayer_lowered:
.L_overlay_start_2:
0x43: {  	(tag) =	ssettag $0x2  }
0x44: {  	s0 =	rddreg [dreg:$0x0];
	s2 =	stileid.u32  }
0x45: {  	s1 =	rddreg [dreg:$0x1];
	p0 =	sne.s32 s2, $0x0  }
0x46: {  	s3 =	rddreg [dreg:$0x2];
	[bflag:$0x3] =	sbarrier.arrive $0xFFFF;
	s2 =	simm.s32 @!p0 $0x1C01  }
0x47: {  	[timem:s3], [sflag:s2] =	dma.local @!p0 [hbm:s0], s1  }
0x48: {  	s0 =	simm.s32 @!p0 $0x1  }
0x49: {  	_ =	swait.ge @!p0 [sflag:s0], s1  }
0x4a: {  	s1 =	ssub.s32 @!p0 $0x0, s1;
	[sflag:s0] =	ssyncset.done @!p0 $0x0  }
0x4b: {  	[sflag:s0] =	ssyncadd.s32 @!p0 s1  }
0x4c: {  	[bflag:$0x3] =	sbarrier.arrive $0xFFFF  }
0x4d: {  	_ =	shalt  }

</sc_bundles>
